<compile_context>
chip_gen: v7x
topology: tpu7x:2x2x1
jax: 0.10.2.dev20260603
libtpu: 0.0.44.dev20260713+nightly
codegen_flags: <defaults>
</compile_context>

<pallas_src>
import functools

import jax
import jax.numpy as jnp
from jax import lax
from jax.experimental import pallas as pl
from jax.experimental.pallas import tpu as pltpu
from jax.experimental.pallas import tpu_sc as plsc

_B, _N, _K = 4, 4096, 16
_C = 64
_COUT = 128
_EPS = 1e-5
_CNT = float(_B * _N * _K)

_TN = 512
_TG = 4096
_TP = _TG // _K
_STEPS = (_B * _N * _K) // _TG

_SC_WORKERS = 32
_ROWS_PER_W = (_B * _N * _K) // _SC_WORKERS
_CH = 128
_NCHUNK = _ROWS_PER_W // _CH



def _knn_body(xyz_ref, xyzt_ref, idx_ref):
    b = pl.program_id(0)
    x = xyz_ref[0]
    xt = xyzt_ref[0]
    sq = jnp.sum(xt * xt, axis=0, keepdims=True)
    d = sq - 2.0 * jnp.dot(x, xt, preferred_element_type=jnp.float32)
    col = lax.broadcasted_iota(jnp.int32, (_TN, _N), 1)
    offs = b * _N
    for k in range(_K):
        am = jnp.argmin(d, axis=1).astype(jnp.int32)
        idx_ref[0, k, :] = am + offs
        if k < _K - 1:
            d = jnp.where(col == am[:, None], jnp.float32(jnp.inf), d)


def _knn(xyz, xyzt):
    return pl.pallas_call(
        _knn_body,
        grid=(_B, _N // _TN),
        in_specs=[
            pl.BlockSpec((1, _TN, 3), lambda b, t: (b, t, 0)),
            pl.BlockSpec((1, 3, _N), lambda b, t: (b, 0, 0)),
        ],
        out_specs=pl.BlockSpec((1, _K, _TN), lambda b, t: (b, 0, t)),
        out_shape=jax.ShapeDtypeStruct((_B, _K, _N), jnp.int32),
    )(xyz, xyzt)



def _pq_body(f_ref, x_ref, w1at_ref, w1bt_ref, w1ct_ref, p_ref, q_ref):
    f = f_ref[...]
    x3 = x_ref[...]
    q = (jnp.dot(f, w1bt_ref[...], preferred_element_type=jnp.float32)
         + jnp.dot(x3, w1ct_ref[...], preferred_element_type=jnp.float32))
    p = jnp.dot(f, w1at_ref[...], preferred_element_type=jnp.float32) - q
    p_ref[...] = p
    q_ref[...] = q


def _pq(f_flat, x_flat, w1at, w1bt, w1ct):
    rows = _B * _N
    tr = 2048
    return pl.pallas_call(
        _pq_body,
        grid=(rows // tr,),
        in_specs=[
            pl.BlockSpec((tr, _C), lambda t: (t, 0)),
            pl.BlockSpec((tr, 3), lambda t: (t, 0)),
            pl.BlockSpec((_C, _C), lambda t: (0, 0)),
            pl.BlockSpec((_C, _C), lambda t: (0, 0)),
            pl.BlockSpec((3, _C), lambda t: (0, 0)),
        ],
        out_specs=[
            pl.BlockSpec((tr, _C), lambda t: (t, 0)),
            pl.BlockSpec((tr, _C), lambda t: (t, 0)),
        ],
        out_shape=[
            jax.ShapeDtypeStruct((rows, _C), jnp.float32),
            jax.ShapeDtypeStruct((rows, _C), jnp.float32),
        ],
    )(f_flat, x_flat, w1at, w1bt, w1ct)



def _sc_gather_body(q_hbm, idx_hbm, out_hbm, idx_v, rows_v, sem):
    wid = lax.axis_index("s") * 2 + lax.axis_index("c")
    base = wid * _ROWS_PER_W

    def chunk(i, carry):
        off = base + i * _CH
        pltpu.sync_copy(idx_hbm.at[pl.ds(off, _CH)], idx_v)
        pltpu.async_copy(q_hbm.at[idx_v], rows_v, sem).wait()
        pltpu.sync_copy(rows_v, out_hbm.at[pl.ds(off, _CH)])
        return carry

    lax.fori_loop(0, _NCHUNK, chunk, 0)


def _sc_gather(q_flat, idx_flat):
    mesh = plsc.VectorSubcoreMesh(core_axis_name="c", subcore_axis_name="s")
    fn = pl.kernel(
        _sc_gather_body,
        mesh=mesh,
        out_type=jax.ShapeDtypeStruct((_B * _N * _K, _C), jnp.float32),
        scratch_types=[
            pltpu.VMEM((_CH,), jnp.int32),
            pltpu.VMEM((_CH, _C), jnp.float32),
            pltpu.SemaphoreType.DMA,
        ],
        compiler_params=pltpu.CompilerParams(use_tc_tiling_on_sc=False),
    )
    return fn(q_flat, idx_flat)



def _stats1_body(yg_ref, p_ref, g1_ref, b1_ref, scale_ref, shift_ref, acc_ref):
    t = pl.program_id(0)

    @pl.when(t == 0)
    def _():
        acc_ref[...] = jnp.zeros_like(acc_ref)

    yg = yg_ref[...]
    p = p_ref[...]
    tkn = jnp.sum(yg.reshape(_TP, _K, _C), axis=1)
    acc_ref[0, :] += jnp.sum(yg, axis=0)
    acc_ref[1, :] += jnp.sum(yg * yg, axis=0)
    acc_ref[2, :] += jnp.sum(p * tkn, axis=0)
    acc_ref[3, :] += jnp.sum(p, axis=0)
    acc_ref[4, :] += jnp.sum(p * p, axis=0)

    @pl.when(t == _STEPS - 1)
    def _():
        mean = (_K * acc_ref[3, :] + acc_ref[0, :]) / _CNT
        ey2 = (_K * acc_ref[4, :] + 2.0 * acc_ref[2, :] + acc_ref[1, :]) / _CNT
        var = ey2 - mean * mean
        scale = g1_ref[...] * lax.rsqrt(var + _EPS)
        scale_ref[...] = scale
        shift_ref[...] = b1_ref[...] - mean * scale


def _stats1(yg, p, g1, b1):
    return pl.pallas_call(
        _stats1_body,
        grid=(_STEPS,),
        in_specs=[
            pl.BlockSpec((_TG, _C), lambda t: (t, 0)),
            pl.BlockSpec((_TP, _C), lambda t: (t, 0)),
            pl.BlockSpec((_C,), lambda t: (0,)),
            pl.BlockSpec((_C,), lambda t: (0,)),
        ],
        out_specs=[
            pl.BlockSpec((_C,), lambda t: (0,)),
            pl.BlockSpec((_C,), lambda t: (0,)),
        ],
        out_shape=[
            jax.ShapeDtypeStruct((_C,), jnp.float32),
            jax.ShapeDtypeStruct((_C,), jnp.float32),
        ],
        scratch_shapes=[pltpu.VMEM((8, _C), jnp.float32)],
    )(yg, p, g1, b1)



def _stats2_body(yg_ref, p_ref, sc1_ref, sh1_ref, w2_ref, w2t_ref, g2_ref,
                 b2_ref, a2t_ref, c2_ref, s_ref, m_ref):
    t = pl.program_id(0)

    @pl.when(t == 0)
    def _():
        s_ref[...] = jnp.zeros_like(s_ref)
        m_ref[...] = jnp.zeros_like(m_ref)

    p = p_ref[...]
    prep = jnp.broadcast_to(p[:, None, :], (_TP, _K, _C)).reshape(_TG, _C)
    h1 = jnp.maximum(sc1_ref[...] * (yg_ref[...] + prep) + sh1_ref[...], 0.0)
    s_ref[0, :] += jnp.sum(h1, axis=0)
    m_ref[...] += lax.dot_general(h1, h1, (((0,), (0,)), ((), ())),
                                  preferred_element_type=jnp.float32)

    @pl.when(t == _STEPS - 1)
    def _():
        mu = s_ref[0, :] / _CNT
        smom = m_ref[...] / _CNT
        w2 = w2_ref[...]
        mean2 = jnp.dot(w2, mu, preferred_element_type=jnp.float32)
        var2 = jnp.sum(jnp.dot(w2, smom, preferred_element_type=jnp.float32)
                       * w2, axis=1) - mean2 * mean2
        sc2 = g2_ref[...] * lax.rsqrt(var2 + _EPS)
        a2t_ref[...] = w2t_ref[...] * sc2[None, :]
        c2_ref[...] = b2_ref[...] - mean2 * sc2


def _stats2(yg, p, sc1, sh1, w2, w2t, g2, b2):
    return pl.pallas_call(
        _stats2_body,
        grid=(_STEPS,),
        in_specs=[
            pl.BlockSpec((_TG, _C), lambda t: (t, 0)),
            pl.BlockSpec((_TP, _C), lambda t: (t, 0)),
            pl.BlockSpec((_C,), lambda t: (0,)),
            pl.BlockSpec((_C,), lambda t: (0,)),
            pl.BlockSpec((_C, _C), lambda t: (0, 0)),
            pl.BlockSpec((_C, _C), lambda t: (0, 0)),
            pl.BlockSpec((_C,), lambda t: (0,)),
            pl.BlockSpec((_C,), lambda t: (0,)),
        ],
        out_specs=[
            pl.BlockSpec((_C, _C), lambda t: (0, 0)),
            pl.BlockSpec((_C,), lambda t: (0,)),
        ],
        out_shape=[
            jax.ShapeDtypeStruct((_C, _C), jnp.float32),
            jax.ShapeDtypeStruct((_C,), jnp.float32),
        ],
        scratch_shapes=[
            pltpu.VMEM((8, _C), jnp.float32),
            pltpu.VMEM((_C, _C), jnp.float32),
        ],
    )(yg, p, sc1, sh1, w2, w2t, g2, b2)



def _pass3_body(yg_ref, p_ref, sc1_ref, sh1_ref, a2t_ref, c2_ref, w3_ref,
                w3t_ref, g3_ref, b3_ref, mx_ref, sc3_ref, sh3_ref,
                s_ref, m_ref):
    t = pl.program_id(0)

    @pl.when(t == 0)
    def _():
        s_ref[...] = jnp.zeros_like(s_ref)
        m_ref[...] = jnp.zeros_like(m_ref)

    p = p_ref[...]
    prep = jnp.broadcast_to(p[:, None, :], (_TP, _K, _C)).reshape(_TG, _C)
    h1 = jnp.maximum(sc1_ref[...] * (yg_ref[...] + prep) + sh1_ref[...], 0.0)
    h2 = jnp.maximum(jnp.dot(h1, a2t_ref[...],
                             preferred_element_type=jnp.float32)
                     + c2_ref[...], 0.0)
    s_ref[0, :] += jnp.sum(h2, axis=0)
    m_ref[...] += lax.dot_general(h2, h2, (((0,), (0,)), ((), ())),
                                  preferred_element_type=jnp.float32)
    y3 = jnp.dot(h2, w3t_ref[...], preferred_element_type=jnp.float32)
    mx_ref[...] = jnp.max(y3.reshape(_TP, _K, _COUT), axis=1)

    @pl.when(t == _STEPS - 1)
    def _():
        mu = s_ref[0, :] / _CNT
        smom = m_ref[...] / _CNT
        w3 = w3_ref[...]
        mean3 = jnp.dot(w3, mu, preferred_element_type=jnp.float32)
        var3 = jnp.sum(jnp.dot(w3, smom, preferred_element_type=jnp.float32)
                       * w3, axis=1) - mean3 * mean3
        sc3 = g3_ref[...] * lax.rsqrt(var3 + _EPS)
        sc3_ref[...] = sc3
        sh3_ref[...] = b3_ref[...] - mean3 * sc3


def _pass3(yg, p, sc1, sh1, a2t, c2, w3, w3t, g3, b3):
    return pl.pallas_call(
        _pass3_body,
        grid=(_STEPS,),
        in_specs=[
            pl.BlockSpec((_TG, _C), lambda t: (t, 0)),
            pl.BlockSpec((_TP, _C), lambda t: (t, 0)),
            pl.BlockSpec((_C,), lambda t: (0,)),
            pl.BlockSpec((_C,), lambda t: (0,)),
            pl.BlockSpec((_C, _C), lambda t: (0, 0)),
            pl.BlockSpec((_C,), lambda t: (0,)),
            pl.BlockSpec((_COUT, _C), lambda t: (0, 0)),
            pl.BlockSpec((_C, _COUT), lambda t: (0, 0)),
            pl.BlockSpec((_COUT,), lambda t: (0,)),
            pl.BlockSpec((_COUT,), lambda t: (0,)),
        ],
        out_specs=[
            pl.BlockSpec((_TP, _COUT), lambda t: (t, 0)),
            pl.BlockSpec((_COUT,), lambda t: (0,)),
            pl.BlockSpec((_COUT,), lambda t: (0,)),
        ],
        out_shape=[
            jax.ShapeDtypeStruct((_B * _N, _COUT), jnp.float32),
            jax.ShapeDtypeStruct((_COUT,), jnp.float32),
            jax.ShapeDtypeStruct((_COUT,), jnp.float32),
        ],
        scratch_shapes=[
            pltpu.VMEM((8, _C), jnp.float32),
            pltpu.VMEM((_C, _C), jnp.float32),
        ],
    )(yg, p, sc1, sh1, a2t, c2, w3, w3t, g3, b3)



def _final_body(mx_ref, sc3_ref, sh3_ref, out_ref):
    out_ref[...] = jnp.maximum(sc3_ref[...] * mx_ref[...] + sh3_ref[...], 0.0)


def _final(mx, sc3, sh3):
    rows = _B * _N
    tr = 2048
    return pl.pallas_call(
        _final_body,
        grid=(rows // tr,),
        in_specs=[
            pl.BlockSpec((tr, _COUT), lambda t: (t, 0)),
            pl.BlockSpec((_COUT,), lambda t: (0,)),
            pl.BlockSpec((_COUT,), lambda t: (0,)),
        ],
        out_specs=pl.BlockSpec((tr, _COUT), lambda t: (t, 0)),
        out_shape=jax.ShapeDtypeStruct((rows, _COUT), jnp.float32),
    )(mx, sc3, sh3)



@jax.jit
def kernel(xyz, features, W1, g1, b1, W2, g2, b2, W3, g3, b3):
    xyzt = jnp.transpose(xyz, (0, 2, 1))
    idx = _knn(xyz, xyzt)
    idx_flat = jnp.transpose(idx, (0, 2, 1)).reshape(-1)

    f_flat = features.reshape(_B * _N, _C)
    x_flat = xyz.reshape(_B * _N, 3)
    w1a = W1[:, :_C]
    w1b = W1[:, _C:2 * _C]
    w1c = W1[:, 2 * _C:]
    p, q = _pq(f_flat, x_flat,
               jnp.transpose(w1a), jnp.transpose(w1b), jnp.transpose(w1c))

    yg = _sc_gather(q, idx_flat)

    sc1, sh1 = _stats1(yg, p, g1, b1)
    a2t, c2 = _stats2(yg, p, sc1, sh1, W2, jnp.transpose(W2), g2, b2)
    mx, sc3, sh3 = _pass3(yg, p, sc1, sh1, a2t, c2, W3, jnp.transpose(W3),
                          g3, b3)
    out = _final(mx, sc3, sh3)
    return out.reshape(_B, _N, _COUT)

# --- scband reference (transcript-rebuilt; emitter-appended) ---
"""Pipeline reference for scband-local-feature-aggregation-6030134083769 (READ-ONLY COPY).

The authoritative reference and input builder live on the scoring server;
editing this copy changes nothing except your own understanding.
"""

import jax, jax.numpy as jnp
import numpy as np

B, N, K = 4, 4096, 16
C_IN, C_OUT = 64, 128
C_MID = C_OUT // 2
C_CAT = 2 * C_IN + 3


def setup_inputs(seed: int = 0) -> dict:
    key = jax.random.key(seed)
    ks = jax.random.split(key, 8)
    xyz = jax.random.normal(ks[0], (B, N, 3), dtype=jnp.float32)
    features = jax.random.normal(ks[1], (B, N, C_IN), dtype=jnp.float32)
    W1 = jax.random.normal(ks[2], (C_MID, C_CAT), dtype=jnp.float32) * 0.05
    g1 = jnp.ones((C_MID,), dtype=jnp.float32)
    b1 = jnp.zeros((C_MID,), dtype=jnp.float32)
    W2 = jax.random.normal(ks[3], (C_MID, C_MID), dtype=jnp.float32) * 0.05
    g2 = jnp.ones((C_MID,), dtype=jnp.float32)
    b2 = jnp.zeros((C_MID,), dtype=jnp.float32)
    W3 = jax.random.normal(ks[4], (C_OUT, C_MID), dtype=jnp.float32) * 0.05
    g3 = jnp.ones((C_OUT,), dtype=jnp.float32)
    b3 = jnp.zeros((C_OUT,), dtype=jnp.float32)
    return {"xyz": xyz, "features": features, "W1": W1, "g1": g1, "b1": b1,
            "W2": W2, "g2": g2, "b2": b2, "W3": W3, "g3": g3, "b3": b3}


def _bn(x, gamma, beta, eps=1e-5):
    # train-mode BatchNorm2d over (B, C, N, K): stats over axes (0, 2, 3)
    mean = jnp.mean(x, axis=(0, 2, 3), keepdims=True)
    var = jnp.var(x, axis=(0, 2, 3), keepdims=True)
    xhat = (x - mean) / jnp.sqrt(var + eps)
    return xhat * gamma.reshape(1, -1, 1, 1) + beta.reshape(1, -1, 1, 1)


def _knn_idx(xyz):
    inner = -2.0 * jnp.einsum('bnd,bmd->bnm', xyz, xyz)
    sq = jnp.sum(xyz ** 2, axis=2)
    dist = sq[:, :, None] + inner + sq[:, None, :]
    _, idx = jax.lax.top_k(-dist, K)  # k smallest distances, sorted
    return idx


def reference(xyz, features, W1, g1, b1, W2, g2, b2, W3, g3, b3):
    idx = _knn_idx(xyz)  # [B, N, K]
    batch_idx = jnp.arange(B, dtype=idx.dtype).reshape(-1, 1, 1)
    idx_flat = (idx + batch_idx * N).reshape(-1)
    xyz_flat = xyz.reshape(-1, 3)
    neighbors_xyz = jnp.take(xyz_flat, idx_flat, axis=0).reshape(B, N, K, 3)
    xyz_centered = neighbors_xyz - xyz[:, :, None, :]
    feat_flat = features.reshape(-1, C_IN)
    neigh_feats = jnp.take(feat_flat, idx_flat, axis=0).reshape(B, N, K, C_IN)
    feat_centered = neigh_feats - features[:, :, None, :]
    feat_rep = jnp.broadcast_to(features[:, :, None, :], (B, N, K, C_IN))
    cat = jnp.concatenate([feat_rep, feat_centered, xyz_centered], axis=-1)
    x = jnp.transpose(cat, (0, 3, 1, 2))  # [B, 2C+3, N, K]
    x = jax.nn.relu(_bn(jnp.einsum('oc,bcnk->bonk', W1, x), g1, b1))
    x = jax.nn.relu(_bn(jnp.einsum('oc,bcnk->bonk', W2, x), g2, b2))
    x = jax.nn.relu(_bn(jnp.einsum('oc,bcnk->bonk', W3, x), g3, b3))
    x = jnp.max(x, axis=-1)  # [B, C_OUT, N]
    return jnp.transpose(x, (0, 2, 1))  # [B, N, C_OUT]

if __name__ == "__main__":
    import jax
    _d = setup_inputs()
    print(jax.jit(kernel)(*tuple(_d.values())))

</pallas_src>

<mosaic_0001>
#map = affine_map<(d0, d1) -> (0, 0)>
#map1 = affine_map<(d0, d1) -> (0)>
module attributes {stable_mosaic.version = 14 : i64} {
  func.func @_sc_gather_body(%arg0: i32, %arg1: i32, %arg2: memref<16384x64xf32, #tpu.memory_space<hbm>>, %arg3: memref<262144xi32, #tpu.memory_space<hbm>>, %arg4: memref<262144x64xf32, #tpu.memory_space<hbm>>, %arg5: memref<128xi32, #tpu.memory_space<vmem>>, %arg6: memref<128x64xf32, #tpu.memory_space<vmem>>, %arg7: memref<!tpu.dma_semaphore, #tpu.memory_space<semaphore_mem>>) attributes {dimension_semantics = [#tpu.dimension_semantics<core_parallel>, #tpu.dimension_semantics<subcore_parallel>], iteration_bounds = array<i64: 2, 16>, scalar_prefetch = 0 : i64, scratch_operands = 3 : i64, tpu.core_type = #tpu.core_type<sc_vector_subcore>, window_params = [{transform_indices = #map}, {transform_indices = #map1}, {transform_indices = #map}]} {
    %mul3A = arith.constant 2 : i32
    %mul3A_0 = arith.muli %arg1, %mul3A : i32
    %add3A = arith.addi %mul3A_0, %arg0 : i32
    %mul3A_1 = arith.constant 8192 : i32
    %mul3A_2 = arith.muli %add3A, %mul3A_1 : i32
    %scan3A = arith.constant 0 : i32
    %scan3A_3 = arith.constant 0 : i32
    %scan3A_4 = arith.constant 64 : i32
    %scan3A_5 = arith.addi %scan3A_3, %scan3A_4 : i32
    %scan3A_6 = arith.constant 1 : i32
    scf.for %scan3A_8 = %scan3A_3 to %scan3A_5 step %scan3A_6  : i32 {
      %mul3A_9 = arith.constant 128 : i32
      %mul3A_10 = arith.muli %scan3A_8, %mul3A_9 : i32
      %add3A_11 = arith.addi %mul3A_2, %mul3A_10 : i32
      "tpu.region"() ({
        %run_scoped3A = tpu.sem_alloc : memref<!tpu.dma_semaphore, #tpu.memory_space<semaphore_mem>>
        %dma_start3A_16 = tpu.memref_slice %arg3[%add3A_11] : memref<262144xi32, #tpu.memory_space<hbm>> -> memref<128xi32, #tpu.memory_space<hbm>>
        %dma_start3A_17 = tpu.memref_slice %arg3[%add3A_11] : memref<262144xi32, #tpu.memory_space<hbm>> -> memref<128xi32, #tpu.memory_space<hbm>>
        tpu.enqueue_dma source(%dma_start3A_17 : memref<128xi32, #tpu.memory_space<hbm>>) target(%arg5 : memref<128xi32, #tpu.memory_space<vmem>>) target_semaphore(%run_scoped3A : memref<!tpu.dma_semaphore, #tpu.memory_space<semaphore_mem>>)
        %dma_wait3A_18 = tpu.memref_slice %arg3[%add3A_11] : memref<262144xi32, #tpu.memory_space<hbm>> -> memref<128xi32, #tpu.memory_space<hbm>>
        %dma_wait3A_19 = tpu.memref_slice %arg3[%add3A_11] : memref<262144xi32, #tpu.memory_space<hbm>> -> memref<128xi32, #tpu.memory_space<hbm>>
        tpu.wait_dma2 semaphore(%run_scoped3A : memref<!tpu.dma_semaphore, #tpu.memory_space<semaphore_mem>>) src(%dma_wait3A_19 : memref<128xi32, #tpu.memory_space<hbm>>) dst(%arg5 : memref<128xi32, #tpu.memory_space<vmem>>)
        tpu.yield
      }) : () -> ()
      %dma_start3A = arith.constant 0 : i32
      %dma_start3A_12 = arith.constant 0 : i32
      %dma_start3A_13 = tpu.memref_slice %arg2[%dma_start3A, %dma_start3A_12] : memref<16384x64xf32, #tpu.memory_space<hbm>> -> memref<16384x64xf32, #tpu.memory_space<hbm>>
      tpu.enqueue_indirect_dma source(%dma_start3A_13 : memref<16384x64xf32, #tpu.memory_space<hbm>>) target(%arg6 : memref<128x64xf32, #tpu.memory_space<vmem>>) offsets(%arg5 : memref<128xi32, #tpu.memory_space<vmem>>) semaphore(%arg7 : memref<!tpu.dma_semaphore, #tpu.memory_space<semaphore_mem>>)
      %dma_wait3A = arith.constant 0 : i32
      %dma_wait3A_14 = arith.constant 0 : i32
      %dma_wait3A_15 = tpu.memref_slice %arg2[%dma_wait3A, %dma_wait3A_14] : memref<16384x64xf32, #tpu.memory_space<hbm>> -> memref<16384x64xf32, #tpu.memory_space<hbm>>
      tpu.wait_indirect_dma semaphore(%arg7 : memref<!tpu.dma_semaphore, #tpu.memory_space<semaphore_mem>>) src(%dma_wait3A_15 : memref<16384x64xf32, #tpu.memory_space<hbm>>) dst(%arg6 : memref<128x64xf32, #tpu.memory_space<vmem>>)
      "tpu.region"() ({
        %run_scoped3A = tpu.sem_alloc : memref<!tpu.dma_semaphore, #tpu.memory_space<semaphore_mem>>
        %dma_start3A_16 = arith.constant 0 : i32
        %dma_start3A_17 = tpu.memref_slice %arg4[%add3A_11, %dma_start3A_16] : memref<262144x64xf32, #tpu.memory_space<hbm>> -> memref<128x64xf32, #tpu.memory_space<hbm>>
        %dma_start3A_18 = arith.constant 0 : i32
        %dma_start3A_19 = tpu.memref_slice %arg4[%add3A_11, %dma_start3A_18] : memref<262144x64xf32, #tpu.memory_space<hbm>> -> memref<128x64xf32, #tpu.memory_space<hbm>>
        tpu.enqueue_dma source(%arg6 : memref<128x64xf32, #tpu.memory_space<vmem>>) target(%dma_start3A_19 : memref<128x64xf32, #tpu.memory_space<hbm>>) target_semaphore(%run_scoped3A : memref<!tpu.dma_semaphore, #tpu.memory_space<semaphore_mem>>)
        %dma_wait3A_20 = arith.constant 0 : i32
        %dma_wait3A_21 = tpu.memref_slice %arg4[%add3A_11, %dma_wait3A_20] : memref<262144x64xf32, #tpu.memory_space<hbm>> -> memref<128x64xf32, #tpu.memory_space<hbm>>
        %dma_wait3A_22 = arith.constant 0 : i32
        %dma_wait3A_23 = tpu.memref_slice %arg4[%add3A_11, %dma_wait3A_22] : memref<262144x64xf32, #tpu.memory_space<hbm>> -> memref<128x64xf32, #tpu.memory_space<hbm>>
        tpu.wait_dma2 semaphore(%run_scoped3A : memref<!tpu.dma_semaphore, #tpu.memory_space<semaphore_mem>>) src(%arg6 : memref<128x64xf32, #tpu.memory_space<vmem>>) dst(%dma_wait3A_23 : memref<128x64xf32, #tpu.memory_space<hbm>>)
        tpu.yield
      }) : () -> ()
    }
    %scan3A_7 = arith.constant 64 : i32
    return
  }
}

module attributes {stable_mosaic.version = 14 : i64} {
  func.func @_pq_body(%arg0: i32, %arg1: memref<2048x64xf32, #tpu.memory_space<vmem>>, %arg2: memref<2048x3xf32, #tpu.memory_space<vmem>>, %arg3: memref<64x64xf32, #tpu.memory_space<vmem>>, %arg4: memref<64x64xf32, #tpu.memory_space<vmem>>, %arg5: memref<3x64xf32, #tpu.memory_space<vmem>>, %arg6: memref<2048x64xf32, #tpu.memory_space<vmem>>, %arg7: memref<2048x64xf32, #tpu.memory_space<vmem>>) attributes {dimension_semantics = [#tpu.dimension_semantics<arbitrary>], iteration_bounds = array<i64: 8>, scalar_prefetch = 0 : i64, scratch_operands = 0 : i64, tpu.core_type = #tpu.core_type<tc>, window_params = [{transform_indices = @transform_0, window_bounds = array<i64: 2048, 64>}, {transform_indices = @transform_1, window_bounds = array<i64: 2048, 3>}, {pipeline_mode = #tpu.pipeline_mode<synchronous>, transform_indices = @transform_2, window_bounds = array<i64: 64, 64>}, {pipeline_mode = #tpu.pipeline_mode<synchronous>, transform_indices = @transform_3, window_bounds = array<i64: 64, 64>}, {pipeline_mode = #tpu.pipeline_mode<synchronous>, transform_indices = @transform_4, window_bounds = array<i64: 3, 64>}, {transform_indices = @transform_5, window_bounds = array<i64: 2048, 64>}, {transform_indices = @transform_6, window_bounds = array<i64: 2048, 64>}]} {
    %get3A = arith.constant 0 : index
    %get3A_0 = arith.constant 0 : index
    %get3A_1 = vector.load %arg1[%get3A, %get3A_0] : memref<2048x64xf32, #tpu.memory_space<vmem>>, vector<2048x64xf32>
    %get3A_2 = arith.constant 0 : index
    %get3A_3 = arith.constant 0 : index
    %get3A_4 = vector.load %arg2[%get3A_2, %get3A_3] : memref<2048x3xf32, #tpu.memory_space<vmem>>, vector<2048x3xf32>
    %get3A_5 = arith.constant 0 : index
    %get3A_6 = arith.constant 0 : index
    %get3A_7 = vector.load %arg4[%get3A_5, %get3A_6] : memref<64x64xf32, #tpu.memory_space<vmem>>, vector<64x64xf32>
    %dot_general3A = arith.constant dense<0.000000e+00> : vector<2048x64xf32>
    %dot_general3A_8 = tpu.matmul %get3A_1, %get3A_7, %dot_general3A {dimension_numbers = #tpu.dot_dimension_numbers<[1], [0], [0], [1], [0, 0, 1, 1], [], []>, transpose_lhs_hint = false} : vector<2048x64xf32>, vector<64x64xf32>, vector<2048x64xf32> -> vector<2048x64xf32>
    %get3A_9 = arith.constant 0 : index
    %get3A_10 = arith.constant 0 : index
    %get3A_11 = vector.load %arg5[%get3A_9, %get3A_10] : memref<3x64xf32, #tpu.memory_space<vmem>>, vector<3x64xf32>
    %dot_general3A_12 = arith.constant dense<0.000000e+00> : vector<2048x64xf32>
    %dot_general3A_13 = tpu.matmul %get3A_4, %get3A_11, %dot_general3A_12 {dimension_numbers = #tpu.dot_dimension_numbers<[1], [0], [0], [1], [0, 0, 1, 1], [], []>, transpose_lhs_hint = false} : vector<2048x3xf32>, vector<3x64xf32>, vector<2048x64xf32> -> vector<2048x64xf32>
    %add3A = arith.addf %dot_general3A_8, %dot_general3A_13 : vector<2048x64xf32>
    %get3A_14 = arith.constant 0 : index
    %get3A_15 = arith.constant 0 : index
    %get3A_16 = vector.load %arg3[%get3A_14, %get3A_15] : memref<64x64xf32, #tpu.memory_space<vmem>>, vector<64x64xf32>
    %dot_general3A_17 = arith.constant dense<0.000000e+00> : vector<2048x64xf32>
    %dot_general3A_18 = tpu.matmul %get3A_1, %get3A_16, %dot_general3A_17 {dimension_numbers = #tpu.dot_dimension_numbers<[1], [0], [0], [1], [0, 0, 1, 1], [], []>, transpose_lhs_hint = false} : vector<2048x64xf32>, vector<64x64xf32>, vector<2048x64xf32> -> vector<2048x64xf32>
    %sub3A = arith.subf %dot_general3A_18, %add3A : vector<2048x64xf32>
    %swap3A = arith.constant 0 : index
    %swap3A_19 = arith.constant 0 : index
    %swap3A_20 = vector.load %arg6[%swap3A, %swap3A_19] : memref<2048x64xf32, #tpu.memory_space<vmem>>, vector<2048x64xf32>
    tpu.vector_store %arg6[%swap3A, %swap3A_19], %sub3A {strides = array<i32>} : memref<2048x64xf32, #tpu.memory_space<vmem>>, vector<2048x64xf32>,
    %swap3A_21 = arith.constant 0 : index
    %swap3A_22 = arith.constant 0 : index
    %swap3A_23 = vector.load %arg7[%swap3A_21, %swap3A_22] : memref<2048x64xf32, #tpu.memory_space<vmem>>, vector<2048x64xf32>
    tpu.vector_store %arg7[%swap3A_21, %swap3A_22], %add3A {strides = array<i32>} : memref<2048x64xf32, #tpu.memory_space<vmem>>, vector<2048x64xf32>,
    return
  }
  func.func @transform_0(%arg0: i32) -> (i32, i32) {
    %c0_i32 = arith.constant 0 : i32
    %c0_i32_0 = arith.constant 0 : i32
    return %arg0, %c0_i32 : i32, i32
  }
  func.func @transform_1(%arg0: i32) -> (i32, i32) {
    %c0_i32 = arith.constant 0 : i32
    %c0_i32_0 = arith.constant 0 : i32
    return %arg0, %c0_i32 : i32, i32
  }
  func.func @transform_2(%arg0: i32) -> (i32, i32) {
    %c0_i32 = arith.constant 0 : i32
    %c0_i32_0 = arith.constant 0 : i32
    %c0_i32_1 = arith.constant 0 : i32
    return %c0_i32, %c0_i32_0 : i32, i32
  }
  func.func @transform_3(%arg0: i32) -> (i32, i32) {
    %c0_i32 = arith.constant 0 : i32
    %c0_i32_0 = arith.constant 0 : i32
    %c0_i32_1 = arith.constant 0 : i32
    return %c0_i32, %c0_i32_0 : i32, i32
  }
  func.func @transform_4(%arg0: i32) -> (i32, i32) {
    %c0_i32 = arith.constant 0 : i32
    %c0_i32_0 = arith.constant 0 : i32
    %c0_i32_1 = arith.constant 0 : i32
    return %c0_i32, %c0_i32_0 : i32, i32
  }
  func.func @transform_5(%arg0: i32) -> (i32, i32) {
    %c0_i32 = arith.constant 0 : i32
    %c0_i32_0 = arith.constant 0 : i32
    return %arg0, %c0_i32 : i32, i32
  }
  func.func @transform_6(%arg0: i32) -> (i32, i32) {
    %c0_i32 = arith.constant 0 : i32
    %c0_i32_0 = arith.constant 0 : i32
    return %arg0, %c0_i32 : i32, i32
  }
}

module attributes {stable_mosaic.version = 14 : i64} {
  func.func @_knn_body(%arg0: i32, %arg1: i32, %arg2: memref<1x512x3xf32, #tpu.memory_space<vmem>>, %arg3: memref<1x3x4096xf32, #tpu.memory_space<vmem>>, %arg4: memref<1x16x512xi32, #tpu.memory_space<vmem>>) attributes {dimension_semantics = [#tpu.dimension_semantics<arbitrary>, #tpu.dimension_semantics<arbitrary>], iteration_bounds = array<i64: 4, 8>, scalar_prefetch = 0 : i64, scratch_operands = 0 : i64, tpu.core_type = #tpu.core_type<tc>, window_params = [{transform_indices = @transform_0, window_bounds = array<i64: 1, 512, 3>}, {transform_indices = @transform_1, window_bounds = array<i64: 1, 3, 4096>}, {transform_indices = @transform_2, window_bounds = array<i64: 1, 16, 512>}]} {
    %get3A = arith.constant 0 : index
    %get3A_0 = arith.constant 0 : index
    %get3A_1 = arith.constant 0 : index
    %get3A_2 = vector.load %arg2[%get3A, %get3A_0, %get3A_1] : memref<1x512x3xf32, #tpu.memory_space<vmem>>, vector<1x512x3xf32>
    %get3A_3 = vector.shape_cast %get3A_2 : vector<1x512x3xf32> to vector<512x3xf32>
    %get3A_4 = arith.constant 0 : index
    %get3A_5 = arith.constant 0 : index
    %get3A_6 = arith.constant 0 : index
    %get3A_7 = vector.load %arg3[%get3A_4, %get3A_5, %get3A_6] : memref<1x3x4096xf32, #tpu.memory_space<vmem>>, vector<1x3x4096xf32>
    %get3A_8 = vector.shape_cast %get3A_7 : vector<1x3x4096xf32> to vector<3x4096xf32>
    %mul3A = arith.mulf %get3A_8, %get3A_8 : vector<3x4096xf32>
    %reduce_sum3A = arith.constant dense<0.000000e+00> : vector<4096xf32>
    %reduce_sum3A_9 = vector.multi_reduction <add>, %mul3A, %reduce_sum3A [0] : vector<3x4096xf32> to vector<4096xf32>
    %broadcast_in_dim3A = vector.shape_cast %reduce_sum3A_9 : vector<4096xf32> to vector<1x4096xf32>
    %dot_general3A = arith.constant dense<0.000000e+00> : vector<512x4096xf32>
    %dot_general3A_10 = tpu.matmul %get3A_3, %get3A_8, %dot_general3A {dimension_numbers = #tpu.dot_dimension_numbers<[1], [0], [0], [1], [0, 0, 1, 1], [], []>, transpose_lhs_hint = false} : vector<512x3xf32>, vector<3x4096xf32>, vector<512x4096xf32> -> vector<512x4096xf32>
    %mul3A_11 = arith.constant 2.000000e+00 : f32
    %mul3A_12 = vector.broadcast %mul3A_11 : f32 to vector<512x4096xf32>
    %mul3A_13 = arith.mulf %mul3A_12, %dot_general3A_10 : vector<512x4096xf32>
    %sub3A = vector.broadcast %broadcast_in_dim3A : vector<1x4096xf32> to vector<512x4096xf32>
    %sub3A_14 = arith.subf %sub3A, %mul3A_13 : vector<512x4096xf32>
    %iota3A = tpu.iota {dimensions = array<i32: 1>} : vector<512x4096xi32>
    %mul3A_15 = arith.constant 4096 : i32
    %mul3A_16 = arith.muli %arg0, %mul3A_15 : i32
    %argmin3A = tpu.reduce_index %sub3A_14 {axis = 1 : i32, kind = #tpu.reduction_kind<arg_min>} : vector<512x4096xf32> -> vector<512xi32>
    %add3A = vector.broadcast %mul3A_16 : i32 to vector<512xi32>
    %add3A_17 = arith.addi %argmin3A, %add3A : vector<512xi32>
    %swap3A = arith.constant 0 : index
    %swap3A_18 = arith.constant 0 : index
    %swap3A_19 = arith.constant 0 : index
    %swap3A_20 = vector.load %arg4[%swap3A, %swap3A_18, %swap3A_19] : memref<1x16x512xi32, #tpu.memory_space<vmem>>, vector<1x1x512xi32>
    %swap3A_21 = vector.shape_cast %swap3A_20 : vector<1x1x512xi32> to vector<512xi32>
    %swap3A_22 = vector.shape_cast %add3A_17 : vector<512xi32> to vector<1x1x512xi32>
    tpu.vector_store %arg4[%swap3A, %swap3A_18, %swap3A_19], %swap3A_22 {strides = array<i32>} : memref<1x16x512xi32, #tpu.memory_space<vmem>>, vector<1x1x512xi32>,
    %broadcast_in_dim3A_23 = vector.shape_cast %argmin3A : vector<512xi32> to vector<512x1xi32>
    %eq3A = vector.broadcast %broadcast_in_dim3A_23 : vector<512x1xi32> to vector<512x4096xi32>
    %eq3A_24 = arith.cmpi eq, %iota3A, %eq3A : vector<512x4096xi32>
    %jit3A = arith.constant 0x7F800000 : f32
    %broadcast_in_dim3A_25 = vector.broadcast %jit3A : f32 to vector<512x4096xf32>
    %select_n3A = arith.select %eq3A_24, %broadcast_in_dim3A_25, %sub3A_14 : vector<512x4096xi1>, vector<512x4096xf32>
    %argmin3A_26 = tpu.reduce_index %select_n3A {axis = 1 : i32, kind = #tpu.reduction_kind<arg_min>} : vector<512x4096xf32> -> vector<512xi32>
    %add3A_27 = vector.broadcast %mul3A_16 : i32 to vector<512xi32>
    %add3A_28 = arith.addi %argmin3A_26, %add3A_27 : vector<512xi32>
    %swap3A_29 = arith.constant 0 : index
    %swap3A_30 = arith.constant 1 : index
    %swap3A_31 = arith.constant 0 : index
    %swap3A_32 = vector.load %arg4[%swap3A_29, %swap3A_30, %swap3A_31] : memref<1x16x512xi32, #tpu.memory_space<vmem>>, vector<1x1x512xi32>
    %swap3A_33 = vector.shape_cast %swap3A_32 : vector<1x1x512xi32> to vector<512xi32>
    %swap3A_34 = vector.shape_cast %add3A_28 : vector<512xi32> to vector<1x1x512xi32>
    tpu.vector_store %arg4[%swap3A_29, %swap3A_30, %swap3A_31], %swap3A_34 {strides = array<i32>} : memref<1x16x512xi32, #tpu.memory_space<vmem>>, vector<1x1x512xi32>,
    %broadcast_in_dim3A_35 = vector.shape_cast %argmin3A_26 : vector<512xi32> to vector<512x1xi32>
    %eq3A_36 = vector.broadcast %broadcast_in_dim3A_35 : vector<512x1xi32> to vector<512x4096xi32>
    %eq3A_37 = arith.cmpi eq, %iota3A, %eq3A_36 : vector<512x4096xi32>
    %jit3A_38 = arith.constant 0x7F800000 : f32
    %broadcast_in_dim3A_39 = vector.broadcast %jit3A_38 : f32 to vector<512x4096xf32>
    %select_n3A_40 = arith.select %eq3A_37, %broadcast_in_dim3A_39, %select_n3A : vector<512x4096xi1>, vector<512x4096xf32>
    %argmin3A_41 = tpu.reduce_index %select_n3A_40 {axis = 1 : i32, kind = #tpu.reduction_kind<arg_min>} : vector<512x4096xf32> -> vector<512xi32>
    %add3A_42 = vector.broadcast %mul3A_16 : i32 to vector<512xi32>
    %add3A_43 = arith.addi %argmin3A_41, %add3A_42 : vector<512xi32>
    %swap3A_44 = arith.constant 0 : index
    %swap3A_45 = arith.constant 2 : index
    %swap3A_46 = arith.constant 0 : index
    %swap3A_47 = vector.load %arg4[%swap3A_44, %swap3A_45, %swap3A_46] : memref<1x16x512xi32, #tpu.memory_space<vmem>>, vector<1x1x512xi32>
    %swap3A_48 = vector.shape_cast %swap3A_47 : vector<1x1x512xi32> to vector<512xi32>
    %swap3A_49 = vector.shape_cast %add3A_43 : vector<512xi32> to vector<1x1x512xi32>
    tpu.vector_store %arg4[%swap3A_44, %swap3A_45, %swap3A_46], %swap3A_49 {strides = array<i32>} : memref<1x16x512xi32, #tpu.memory_space<vmem>>, vector<1x1x512xi32>,
    %broadcast_in_dim3A_50 = vector.shape_cast %argmin3A_41 : vector<512xi32> to vector<512x1xi32>
    %eq3A_51 = vector.broadcast %broadcast_in_dim3A_50 : vector<512x1xi32> to vector<512x4096xi32>
    %eq3A_52 = arith.cmpi eq, %iota3A, %eq3A_51 : vector<512x4096xi32>
    %jit3A_53 = arith.constant 0x7F800000 : f32
    %broadcast_in_dim3A_54 = vector.broadcast %jit3A_53 : f32 to vector<512x4096xf32>
    %select_n3A_55 = arith.select %eq3A_52, %broadcast_in_dim3A_54, %select_n3A_40 : vector<512x4096xi1>, vector<512x4096xf32>
    %argmin3A_56 = tpu.reduce_index %select_n3A_55 {axis = 1 : i32, kind = #tpu.reduction_kind<arg_min>} : vector<512x4096xf32> -> vector<512xi32>
    %add3A_57 = vector.broadcast %mul3A_16 : i32 to vector<512xi32>
    %add3A_58 = arith.addi %argmin3A_56, %add3A_57 : vector<512xi32>
    %swap3A_59 = arith.constant 0 : index
    %swap3A_60 = arith.constant 3 : index
    %swap3A_61 = arith.constant 0 : index
    %swap3A_62 = vector.load %arg4[%swap3A_59, %swap3A_60, %swap3A_61] : memref<1x16x512xi32, #tpu.memory_space<vmem>>, vector<1x1x512xi32>
    %swap3A_63 = vector.shape_cast %swap3A_62 : vector<1x1x512xi32> to vector<512xi32>
    %swap3A_64 = vector.shape_cast %add3A_58 : vector<512xi32> to vector<1x1x512xi32>
    tpu.vector_store %arg4[%swap3A_59, %swap3A_60, %swap3A_61], %swap3A_64 {strides = array<i32>} : memref<1x16x512xi32, #tpu.memory_space<vmem>>, vector<1x1x512xi32>,
    %broadcast_in_dim3A_65 = vector.shape_cast %argmin3A_56 : vector<512xi32> to vector<512x1xi32>
    %eq3A_66 = vector.broadcast %broadcast_in_dim3A_65 : vector<512x1xi32> to vector<512x4096xi32>
    %eq3A_67 = arith.cmpi eq, %iota3A, %eq3A_66 : vector<512x4096xi32>
    %jit3A_68 = arith.constant 0x7F800000 : f32
    %broadcast_in_dim3A_69 = vector.broadcast %jit3A_68 : f32 to vector<512x4096xf32>
    %select_n3A_70 = arith.select %eq3A_67, %broadcast_in_dim3A_69, %select_n3A_55 : vector<512x4096xi1>, vector<512x4096xf32>
    %argmin3A_71 = tpu.reduce_index %select_n3A_70 {axis = 1 : i32, kind = #tpu.reduction_kind<arg_min>} : vector<512x4096xf32> -> vector<512xi32>
    %add3A_72 = vector.broadcast %mul3A_16 : i32 to vector<512xi32>
    %add3A_73 = arith.addi %argmin3A_71, %add3A_72 : vector<512xi32>
    %swap3A_74 = arith.constant 0 : index
    %swap3A_75 = arith.constant 4 : index
    %swap3A_76 = arith.constant 0 : index
    %swap3A_77 = vector.load %arg4[%swap3A_74, %swap3A_75, %swap3A_76] : memref<1x16x512xi32, #tpu.memory_space<vmem>>, vector<1x1x512xi32>
    %swap3A_78 = vector.shape_cast %swap3A_77 : vector<1x1x512xi32> to vector<512xi32>
    %swap3A_79 = vector.shape_cast %add3A_73 : vector<512xi32> to vector<1x1x512xi32>
    tpu.vector_store %arg4[%swap3A_74, %swap3A_75, %swap3A_76], %swap3A_79 {strides = array<i32>} : memref<1x16x512xi32, #tpu.memory_space<vmem>>, vector<1x1x512xi32>,
    %broadcast_in_dim3A_80 = vector.shape_cast %argmin3A_71 : vector<512xi32> to vector<512x1xi32>
    %eq3A_81 = vector.broadcast %broadcast_in_dim3A_80 : vector<512x1xi32> to vector<512x4096xi32>
    %eq3A_82 = arith.cmpi eq, %iota3A, %eq3A_81 : vector<512x4096xi32>
    %jit3A_83 = arith.constant 0x7F800000 : f32
    %broadcast_in_dim3A_84 = vector.broadcast %jit3A_83 : f32 to vector<512x4096xf32>
    %select_n3A_85 = arith.select %eq3A_82, %broadcast_in_dim3A_84, %select_n3A_70 : vector<512x4096xi1>, vector<512x4096xf32>
    %argmin3A_86 = tpu.reduce_index %select_n3A_85 {axis = 1 : i32, kind = #tpu.reduction_kind<arg_min>} : vector<512x4096xf32> -> vector<512xi32>
    %add3A_87 = vector.broadcast %mul3A_16 : i32 to vector<512xi32>
    %add3A_88 = arith.addi %argmin3A_86, %add3A_87 : vector<512xi32>
    %swap3A_89 = arith.constant 0 : index
    %swap3A_90 = arith.constant 5 : index
    %swap3A_91 = arith.constant 0 : index
    %swap3A_92 = vector.load %arg4[%swap3A_89, %swap3A_90, %swap3A_91] : memref<1x16x512xi32, #tpu.memory_space<vmem>>, vector<1x1x512xi32>
    %swap3A_93 = vector.shape_cast %swap3A_92 : vector<1x1x512xi32> to vector<512xi32>
    %swap3A_94 = vector.shape_cast %add3A_88 : vector<512xi32> to vector<1x1x512xi32>
    tpu.vector_store %arg4[%swap3A_89, %swap3A_90, %swap3A_91], %swap3A_94 {strides = array<i32>} : memref<1x16x512xi32, #tpu.memory_space<vmem>>, vector<1x1x512xi32>,
    %broadcast_in_dim3A_95 = vector.shape_cast %argmin3A_86 : vector<512xi32> to vector<512x1xi32>
    %eq3A_96 = vector.broadcast %broadcast_in_dim3A_95 : vector<512x1xi32> to vector<512x4096xi32>
    %eq3A_97 = arith.cmpi eq, %iota3A, %eq3A_96 : vector<512x4096xi32>
    %jit3A_98 = arith.constant 0x7F800000 : f32
    %broadcast_in_dim3A_99 = vector.broadcast %jit3A_98 : f32 to vector<512x4096xf32>
    %select_n3A_100 = arith.select %eq3A_97, %broadcast_in_dim3A_99, %select_n3A_85 : vector<512x4096xi1>, vector<512x4096xf32>
    %argmin3A_101 = tpu.reduce_index %select_n3A_100 {axis = 1 : i32, kind = #tpu.reduction_kind<arg_min>} : vector<512x4096xf32> -> vector<512xi32>
    %add3A_102 = vector.broadcast %mul3A_16 : i32 to vector<512xi32>
    %add3A_103 = arith.addi %argmin3A_101, %add3A_102 : vector<512xi32>
    %swap3A_104 = arith.constant 0 : index
    %swap3A_105 = arith.constant 6 : index
    %swap3A_106 = arith.constant 0 : index
    %swap3A_107 = vector.load %arg4[%swap3A_104, %swap3A_105, %swap3A_106] : memref<1x16x512xi32, #tpu.memory_space<vmem>>, vector<1x1x512xi32>
    %swap3A_108 = vector.shape_cast %swap3A_107 : vector<1x1x512xi32> to vector<512xi32>
    %swap3A_109 = vector.shape_cast %add3A_103 : vector<512xi32> to vector<1x1x512xi32>
    tpu.vector_store %arg4[%swap3A_104, %swap3A_105, %swap3A_106], %swap3A_109 {strides = array<i32>} : memref<1x16x512xi32, #tpu.memory_space<vmem>>, vector<1x1x512xi32>,
    %broadcast_in_dim3A_110 = vector.shape_cast %argmin3A_101 : vector<512xi32> to vector<512x1xi32>
    %eq3A_111 = vector.broadcast %broadcast_in_dim3A_110 : vector<512x1xi32> to vector<512x4096xi32>
    %eq3A_112 = arith.cmpi eq, %iota3A, %eq3A_111 : vector<512x4096xi32>
    %jit3A_113 = arith.constant 0x7F800000 : f32
    %broadcast_in_dim3A_114 = vector.broadcast %jit3A_113 : f32 to vector<512x4096xf32>
    %select_n3A_115 = arith.select %eq3A_112, %broadcast_in_dim3A_114, %select_n3A_100 : vector<512x4096xi1>, vector<512x4096xf32>
    %argmin3A_116 = tpu.reduce_index %select_n3A_115 {axis = 1 : i32, kind = #tpu.reduction_kind<arg_min>} : vector<512x4096xf32> -> vector<512xi32>
    %add3A_117 = vector.broadcast %mul3A_16 : i32 to vector<512xi32>
    %add3A_118 = arith.addi %argmin3A_116, %add3A_117 : vector<512xi32>
    %swap3A_119 = arith.constant 0 : index
    %swap3A_120 = arith.constant 7 : index
    %swap3A_121 = arith.constant 0 : index
    %swap3A_122 = vector.load %arg4[%swap3A_119, %swap3A_120, %swap3A_121] : memref<1x16x512xi32, #tpu.memory_space<vmem>>, vector<1x1x512xi32>
    %swap3A_123 = vector.shape_cast %swap3A_122 : vector<1x1x512xi32> to vector<512xi32>
    %swap3A_124 = vector.shape_cast %add3A_118 : vector<512xi32> to vector<1x1x512xi32>
    tpu.vector_store %arg4[%swap3A_119, %swap3A_120, %swap3A_121], %swap3A_124 {strides = array<i32>} : memref<1x16x512xi32, #tpu.memory_space<vmem>>, vector<1x1x512xi32>,
    %broadcast_in_dim3A_125 = vector.shape_cast %argmin3A_116 : vector<512xi32> to vector<512x1xi32>
    %eq3A_126 = vector.broadcast %broadcast_in_dim3A_125 : vector<512x1xi32> to vector<512x4096xi32>
    %eq3A_127 = arith.cmpi eq, %iota3A, %eq3A_126 : vector<512x4096xi32>
    %jit3A_128 = arith.constant 0x7F800000 : f32
    %broadcast_in_dim3A_129 = vector.broadcast %jit3A_128 : f32 to vector<512x4096xf32>
    %select_n3A_130 = arith.select %eq3A_127, %broadcast_in_dim3A_129, %select_n3A_115 : vector<512x4096xi1>, vector<512x4096xf32>
    %argmin3A_131 = tpu.reduce_index %select_n3A_130 {axis = 1 : i32, kind = #tpu.reduction_kind<arg_min>} : vector<512x4096xf32> -> vector<512xi32>
    %add3A_132 = vector.broadcast %mul3A_16 : i32 to vector<512xi32>
    %add3A_133 = arith.addi %argmin3A_131, %add3A_132 : vector<512xi32>
    %swap3A_134 = arith.constant 0 : index
    %swap3A_135 = arith.constant 8 : index
    %swap3A_136 = arith.constant 0 : index
    %swap3A_137 = vector.load %arg4[%swap3A_134, %swap3A_135, %swap3A_136] : memref<1x16x512xi32, #tpu.memory_space<vmem>>, vector<1x1x512xi32>
    %swap3A_138 = vector.shape_cast %swap3A_137 : vector<1x1x512xi32> to vector<512xi32>
    %swap3A_139 = vector.shape_cast %add3A_133 : vector<512xi32> to vector<1x1x512xi32>
    tpu.vector_store %arg4[%swap3A_134, %swap3A_135, %swap3A_136], %swap3A_139 {strides = array<i32>} : memref<1x16x512xi32, #tpu.memory_space<vmem>>, vector<1x1x512xi32>,
    %broadcast_in_dim3A_140 = vector.shape_cast %argmin3A_131 : vector<512xi32> to vector<512x1xi32>
    %eq3A_141 = vector.broadcast %broadcast_in_dim3A_140 : vector<512x1xi32> to vector<512x4096xi32>
    %eq3A_142 = arith.cmpi eq, %iota3A, %eq3A_141 : vector<512x4096xi32>
    %jit3A_143 = arith.constant 0x7F800000 : f32
    %broadcast_in_dim3A_144 = vector.broadcast %jit3A_143 : f32 to vector<512x4096xf32>
    %select_n3A_145 = arith.select %eq3A_142, %broadcast_in_dim3A_144, %select_n3A_130 : vector<512x4096xi1>, vector<512x4096xf32>
    %argmin3A_146 = tpu.reduce_index %select_n3A_145 {axis = 1 : i32, kind = #tpu.reduction_kind<arg_min>} : vector<512x4096xf32> -> vector<512xi32>
    %add3A_147 = vector.broadcast %mul3A_16 : i32 to vector<512xi32>
    %add3A_148 = arith.addi %argmin3A_146, %add3A_147 : vector<512xi32>
    %swap3A_149 = arith.constant 0 : index
    %swap3A_150 = arith.constant 9 : index
    %swap3A_151 = arith.constant 0 : index
    %swap3A_152 = vector.load %arg4[%swap3A_149, %swap3A_150, %swap3A_151] : memref<1x16x512xi32, #tpu.memory_space<vmem>>, vector<1x1x512xi32>
    %swap3A_153 = vector.shape_cast %swap3A_152 : vector<1x1x512xi32> to vector<512xi32>
    %swap3A_154 = vector.shape_cast %add3A_148 : vector<512xi32> to vector<1x1x512xi32>
    tpu.vector_store %arg4[%swap3A_149, %swap3A_150, %swap3A_151], %swap3A_154 {strides = array<i32>} : memref<1x16x512xi32, #tpu.memory_space<vmem>>, vector<1x1x512xi32>,
    %broadcast_in_dim3A_155 = vector.shape_cast %argmin3A_146 : vector<512xi32> to vector<512x1xi32>
    %eq3A_156 = vector.broadcast %broadcast_in_dim3A_155 : vector<512x1xi32> to vector<512x4096xi32>
    %eq3A_157 = arith.cmpi eq, %iota3A, %eq3A_156 : vector<512x4096xi32>
    %jit3A_158 = arith.constant 0x7F800000 : f32
    %broadcast_in_dim3A_159 = vector.broadcast %jit3A_158 : f32 to vector<512x4096xf32>
    %select_n3A_160 = arith.select %eq3A_157, %broadcast_in_dim3A_159, %select_n3A_145 : vector<512x4096xi1>, vector<512x4096xf32>
    %argmin3A_161 = tpu.reduce_index %select_n3A_160 {axis = 1 : i32, kind = #tpu.reduction_kind<arg_min>} : vector<512x4096xf32> -> vector<512xi32>
    %add3A_162 = vector.broadcast %mul3A_16 : i32 to vector<512xi32>
    %add3A_163 = arith.addi %argmin3A_161, %add3A_162 : vector<512xi32>
    %swap3A_164 = arith.constant 0 : index
    %swap3A_165 = arith.constant 10 : index
    %swap3A_166 = arith.constant 0 : index
    %swap3A_167 = vector.load %arg4[%swap3A_164, %swap3A_165, %swap3A_166] : memref<1x16x512xi32, #tpu.memory_space<vmem>>, vector<1x1x512xi32>
    %swap3A_168 = vector.shape_cast %swap3A_167 : vector<1x1x512xi32> to vector<512xi32>
    %swap3A_169 = vector.shape_cast %add3A_163 : vector<512xi32> to vector<1x1x512xi32>
    tpu.vector_store %arg4[%swap3A_164, %swap3A_165, %swap3A_166], %swap3A_169 {strides = array<i32>} : memref<1x16x512xi32, #tpu.memory_space<vmem>>, vector<1x1x512xi32>,
    %broadcast_in_dim3A_170 = vector.shape_cast %argmin3A_161 : vector<512xi32> to vector<512x1xi32>
    %eq3A_171 = vector.broadcast %broadcast_in_dim3A_170 : vector<512x1xi32> to vector<512x4096xi32>
    %eq3A_172 = arith.cmpi eq, %iota3A, %eq3A_171 : vector<512x4096xi32>
    %jit3A_173 = arith.constant 0x7F800000 : f32
    %broadcast_in_dim3A_174 = vector.broadcast %jit3A_173 : f32 to vector<512x4096xf32>
    %select_n3A_175 = arith.select %eq3A_172, %broadcast_in_dim3A_174, %select_n3A_160 : vector<512x4096xi1>, vector<512x4096xf32>
    %argmin3A_176 = tpu.reduce_index %select_n3A_175 {axis = 1 : i32, kind = #tpu.reduction_kind<arg_min>} : vector<512x4096xf32> -> vector<512xi32>
    %add3A_177 = vector.broadcast %mul3A_16 : i32 to vector<512xi32>
    %add3A_178 = arith.addi %argmin3A_176, %add3A_177 : vector<512xi32>
    %swap3A_179 = arith.constant 0 : index
    %swap3A_180 = arith.constant 11 : index
    %swap3A_181 = arith.constant 0 : index
    %swap3A_182 = vector.load %arg4[%swap3A_179, %swap3A_180, %swap3A_181] : memref<1x16x512xi32, #tpu.memory_space<vmem>>, vector<1x1x512xi32>
    %swap3A_183 = vector.shape_cast %swap3A_182 : vector<1x1x512xi32> to vector<512xi32>
    %swap3A_184 = vector.shape_cast %add3A_178 : vector<512xi32> to vector<1x1x512xi32>
    tpu.vector_store %arg4[%swap3A_179, %swap3A_180, %swap3A_181], %swap3A_184 {strides = array<i32>} : memref<1x16x512xi32, #tpu.memory_space<vmem>>, vector<1x1x512xi32>,
    %broadcast_in_dim3A_185 = vector.shape_cast %argmin3A_176 : vector<512xi32> to vector<512x1xi32>
    %eq3A_186 = vector.broadcast %broadcast_in_dim3A_185 : vector<512x1xi32> to vector<512x4096xi32>
    %eq3A_187 = arith.cmpi eq, %iota3A, %eq3A_186 : vector<512x4096xi32>
    %jit3A_188 = arith.constant 0x7F800000 : f32
    %broadcast_in_dim3A_189 = vector.broadcast %jit3A_188 : f32 to vector<512x4096xf32>
    %select_n3A_190 = arith.select %eq3A_187, %broadcast_in_dim3A_189, %select_n3A_175 : vector<512x4096xi1>, vector<512x4096xf32>
    %argmin3A_191 = tpu.reduce_index %select_n3A_190 {axis = 1 : i32, kind = #tpu.reduction_kind<arg_min>} : vector<512x4096xf32> -> vector<512xi32>
    %add3A_192 = vector.broadcast %mul3A_16 : i32 to vector<512xi32>
    %add3A_193 = arith.addi %argmin3A_191, %add3A_192 : vector<512xi32>
    %swap3A_194 = arith.constant 0 : index
    %swap3A_195 = arith.constant 12 : index
    %swap3A_196 = arith.constant 0 : index
    %swap3A_197 = vector.load %arg4[%swap3A_194, %swap3A_195, %swap3A_196] : memref<1x16x512xi32, #tpu.memory_space<vmem>>, vector<1x1x512xi32>
    %swap3A_198 = vector.shape_cast %swap3A_197 : vector<1x1x512xi32> to vector<512xi32>
    %swap3A_199 = vector.shape_cast %add3A_193 : vector<512xi32> to vector<1x1x512xi32>
    tpu.vector_store %arg4[%swap3A_194, %swap3A_195, %swap3A_196], %swap3A_199 {strides = array<i32>} : memref<1x16x512xi32, #tpu.memory_space<vmem>>, vector<1x1x512xi32>,
    %broadcast_in_dim3A_200 = vector.shape_cast %argmin3A_191 : vector<512xi32> to vector<512x1xi32>
    %eq3A_201 = vector.broadcast %broadcast_in_dim3A_200 : vector<512x1xi32> to vector<512x4096xi32>
    %eq3A_202 = arith.cmpi eq, %iota3A, %eq3A_201 : vector<512x4096xi32>
    %jit3A_203 = arith.constant 0x7F800000 : f32
    %broadcast_in_dim3A_204 = vector.broadcast %jit3A_203 : f32 to vector<512x4096xf32>
    %select_n3A_205 = arith.select %eq3A_202, %broadcast_in_dim3A_204, %select_n3A_190 : vector<512x4096xi1>, vector<512x4096xf32>
    %argmin3A_206 = tpu.reduce_index %select_n3A_205 {axis = 1 : i32, kind = #tpu.reduction_kind<arg_min>} : vector<512x4096xf32> -> vector<512xi32>
    %add3A_207 = vector.broadcast %mul3A_16 : i32 to vector<512xi32>
    %add3A_208 = arith.addi %argmin3A_206, %add3A_207 : vector<512xi32>
    %swap3A_209 = arith.constant 0 : index
    %swap3A_210 = arith.constant 13 : index
    %swap3A_211 = arith.constant 0 : index
    %swap3A_212 = vector.load %arg4[%swap3A_209, %swap3A_210, %swap3A_211] : memref<1x16x512xi32, #tpu.memory_space<vmem>>, vector<1x1x512xi32>
    %swap3A_213 = vector.shape_cast %swap3A_212 : vector<1x1x512xi32> to vector<512xi32>
    %swap3A_214 = vector.shape_cast %add3A_208 : vector<512xi32> to vector<1x1x512xi32>
    tpu.vector_store %arg4[%swap3A_209, %swap3A_210, %swap3A_211], %swap3A_214 {strides = array<i32>} : memref<1x16x512xi32, #tpu.memory_space<vmem>>, vector<1x1x512xi32>,
    %broadcast_in_dim3A_215 = vector.shape_cast %argmin3A_206 : vector<512xi32> to vector<512x1xi32>
    %eq3A_216 = vector.broadcast %broadcast_in_dim3A_215 : vector<512x1xi32> to vector<512x4096xi32>
    %eq3A_217 = arith.cmpi eq, %iota3A, %eq3A_216 : vector<512x4096xi32>
    %jit3A_218 = arith.constant 0x7F800000 : f32
    %broadcast_in_dim3A_219 = vector.broadcast %jit3A_218 : f32 to vector<512x4096xf32>
    %select_n3A_220 = arith.select %eq3A_217, %broadcast_in_dim3A_219, %select_n3A_205 : vector<512x4096xi1>, vector<512x4096xf32>
    %argmin3A_221 = tpu.reduce_index %select_n3A_220 {axis = 1 : i32, kind = #tpu.reduction_kind<arg_min>} : vector<512x4096xf32> -> vector<512xi32>
    %add3A_222 = vector.broadcast %mul3A_16 : i32 to vector<512xi32>
    %add3A_223 = arith.addi %argmin3A_221, %add3A_222 : vector<512xi32>
    %swap3A_224 = arith.constant 0 : index
    %swap3A_225 = arith.constant 14 : index
    %swap3A_226 = arith.constant 0 : index
    %swap3A_227 = vector.load %arg4[%swap3A_224, %swap3A_225, %swap3A_226] : memref<1x16x512xi32, #tpu.memory_space<vmem>>, vector<1x1x512xi32>
    %swap3A_228 = vector.shape_cast %swap3A_227 : vector<1x1x512xi32> to vector<512xi32>
    %swap3A_229 = vector.shape_cast %add3A_223 : vector<512xi32> to vector<1x1x512xi32>
    tpu.vector_store %arg4[%swap3A_224, %swap3A_225, %swap3A_226], %swap3A_229 {strides = array<i32>} : memref<1x16x512xi32, #tpu.memory_space<vmem>>, vector<1x1x512xi32>,
    %broadcast_in_dim3A_230 = vector.shape_cast %argmin3A_221 : vector<512xi32> to vector<512x1xi32>
    %eq3A_231 = vector.broadcast %broadcast_in_dim3A_230 : vector<512x1xi32> to vector<512x4096xi32>
    %eq3A_232 = arith.cmpi eq, %iota3A, %eq3A_231 : vector<512x4096xi32>
    %jit3A_233 = arith.constant 0x7F800000 : f32
    %broadcast_in_dim3A_234 = vector.broadcast %jit3A_233 : f32 to vector<512x4096xf32>
    %select_n3A_235 = arith.select %eq3A_232, %broadcast_in_dim3A_234, %select_n3A_220 : vector<512x4096xi1>, vector<512x4096xf32>
    %argmin3A_236 = tpu.reduce_index %select_n3A_235 {axis = 1 : i32, kind = #tpu.reduction_kind<arg_min>} : vector<512x4096xf32> -> vector<512xi32>
    %add3A_237 = vector.broadcast %mul3A_16 : i32 to vector<512xi32>
    %add3A_238 = arith.addi %argmin3A_236, %add3A_237 : vector<512xi32>
    %swap3A_239 = arith.constant 0 : index
    %swap3A_240 = arith.constant 15 : index
    %swap3A_241 = arith.constant 0 : index
    %swap3A_242 = vector.load %arg4[%swap3A_239, %swap3A_240, %swap3A_241] : memref<1x16x512xi32, #tpu.memory_space<vmem>>, vector<1x1x512xi32>
    %swap3A_243 = vector.shape_cast %swap3A_242 : vector<1x1x512xi32> to vector<512xi32>
    %swap3A_244 = vector.shape_cast %add3A_238 : vector<512xi32> to vector<1x1x512xi32>
    tpu.vector_store %arg4[%swap3A_239, %swap3A_240, %swap3A_241], %swap3A_244 {strides = array<i32>} : memref<1x16x512xi32, #tpu.memory_space<vmem>>, vector<1x1x512xi32>,
    return
  }
  func.func @transform_0(%arg0: i32, %arg1: i32) -> (i32, i32, i32) {
    %c0_i32 = arith.constant 0 : i32
    %c0_i32_0 = arith.constant 0 : i32
    return %arg0, %arg1, %c0_i32 : i32, i32, i32
  }
  func.func @transform_1(%arg0: i32, %arg1: i32) -> (i32, i32, i32) {
    %c0_i32 = arith.constant 0 : i32
    %c0_i32_0 = arith.constant 0 : i32
    %c0_i32_1 = arith.constant 0 : i32
    return %arg0, %c0_i32, %c0_i32_0 : i32, i32, i32
  }
  func.func @transform_2(%arg0: i32, %arg1: i32) -> (i32, i32, i32) {
    %c0_i32 = arith.constant 0 : i32
    %c0_i32_0 = arith.constant 0 : i32
    return %arg0, %c0_i32, %arg1 : i32, i32, i32
  }
}

module attributes {stable_mosaic.version = 14 : i64} {
  func.func @_stats1_body(%arg0: i32, %arg1: memref<4096x64xf32, #tpu.memory_space<vmem>>, %arg2: memref<256x64xf32, #tpu.memory_space<vmem>>, %arg3: memref<64xf32, #tpu.memory_space<vmem>>, %arg4: memref<64xf32, #tpu.memory_space<vmem>>, %arg5: memref<64xf32, #tpu.memory_space<vmem>>, %arg6: memref<64xf32, #tpu.memory_space<vmem>>, %arg7: memref<8x64xf32, #tpu.memory_space<vmem>>) attributes {dimension_semantics = [#tpu.dimension_semantics<arbitrary>], iteration_bounds = array<i64: 64>, scalar_prefetch = 0 : i64, scratch_operands = 1 : i64, tpu.core_type = #tpu.core_type<tc>, window_params = [{transform_indices = @transform_0, window_bounds = array<i64: 4096, 64>}, {transform_indices = @transform_1, window_bounds = array<i64: 256, 64>}, {pipeline_mode = #tpu.pipeline_mode<synchronous>, transform_indices = @transform_2, window_bounds = array<i64: 64>}, {pipeline_mode = #tpu.pipeline_mode<synchronous>, transform_indices = @transform_3, window_bounds = array<i64: 64>}, {pipeline_mode = #tpu.pipeline_mode<synchronous>, transform_indices = @transform_4, window_bounds = array<i64: 64>}, {pipeline_mode = #tpu.pipeline_mode<synchronous>, transform_indices = @transform_5, window_bounds = array<i64: 64>}]} {
    %eq3A = arith.constant 0 : i32
    %eq3A_0 = arith.cmpi eq, %arg0, %eq3A : i32
    %convert_element_type3A = arith.extui %eq3A_0 : i1 to i32
    %cond3A = arith.constant 0 : i32
    %cond3A_1 = arith.cmpi ne, %convert_element_type3A, %cond3A : i32
    scf.if %cond3A_1 {
      %broadcast_in_dim3A = arith.constant 0.000000e+00 : f32
      %broadcast_in_dim3A_73 = vector.broadcast %broadcast_in_dim3A : f32 to vector<8x64xf32>
      %swap3A_74 = arith.constant 0 : index
      %swap3A_75 = arith.constant 0 : index
      %swap3A_76 = vector.load %arg7[%swap3A_74, %swap3A_75] : memref<8x64xf32, #tpu.memory_space<vmem>>, vector<8x64xf32>
      tpu.vector_store %arg7[%swap3A_74, %swap3A_75], %broadcast_in_dim3A_73 {strides = array<i32>} : memref<8x64xf32, #tpu.memory_space<vmem>>, vector<8x64xf32>,
    } else {
    }
    %get3A = arith.constant 0 : index
    %get3A_2 = arith.constant 0 : index
    %get3A_3 = vector.load %arg1[%get3A, %get3A_2] : memref<4096x64xf32, #tpu.memory_space<vmem>>, vector<4096x64xf32>
    %get3A_4 = arith.constant 0 : index
    %get3A_5 = arith.constant 0 : index
    %get3A_6 = vector.load %arg2[%get3A_4, %get3A_5] : memref<256x64xf32, #tpu.memory_space<vmem>>, vector<256x64xf32>
    %reshape3A = vector.shape_cast %get3A_3 : vector<4096x64xf32> to vector<256x16x64xf32>
    %reduce_sum3A = arith.constant dense<0.000000e+00> : vector<256x64xf32>
    %reduce_sum3A_7 = vector.multi_reduction <add>, %reshape3A, %reduce_sum3A [1] : vector<256x16x64xf32> to vector<256x64xf32>
    %get3A_8 = arith.constant 0 : index
    %get3A_9 = arith.constant 0 : index
    %get3A_10 = vector.load %arg7[%get3A_8, %get3A_9] : memref<8x64xf32, #tpu.memory_space<vmem>>, vector<1x64xf32>
    %get3A_11 = vector.shape_cast %get3A_10 : vector<1x64xf32> to vector<64xf32>
    %reduce_sum3A_12 = arith.constant dense<0.000000e+00> : vector<64xf32>
    %reduce_sum3A_13 = vector.multi_reduction <add>, %get3A_3, %reduce_sum3A_12 [0] : vector<4096x64xf32> to vector<64xf32>
    %add3A = arith.addf %get3A_11, %reduce_sum3A_13 : vector<64xf32>
    %swap3A = arith.constant 0 : index
    %swap3A_14 = arith.constant 0 : index
    %swap3A_15 = vector.load %arg7[%swap3A, %swap3A_14] : memref<8x64xf32, #tpu.memory_space<vmem>>, vector<1x64xf32>
    %swap3A_16 = vector.shape_cast %swap3A_15 : vector<1x64xf32> to vector<64xf32>
    %swap3A_17 = vector.shape_cast %add3A : vector<64xf32> to vector<1x64xf32>
    tpu.vector_store %arg7[%swap3A, %swap3A_14], %swap3A_17 {strides = array<i32>} : memref<8x64xf32, #tpu.memory_space<vmem>>, vector<1x64xf32>,
    %get3A_18 = arith.constant 1 : index
    %get3A_19 = arith.constant 0 : index
    %get3A_20 = vector.load %arg7[%get3A_18, %get3A_19] : memref<8x64xf32, #tpu.memory_space<vmem>>, vector<1x64xf32>
    %get3A_21 = vector.shape_cast %get3A_20 : vector<1x64xf32> to vector<64xf32>
    %mul3A = arith.mulf %get3A_3, %get3A_3 : vector<4096x64xf32>
    %reduce_sum3A_22 = arith.constant dense<0.000000e+00> : vector<64xf32>
    %reduce_sum3A_23 = vector.multi_reduction <add>, %mul3A, %reduce_sum3A_22 [0] : vector<4096x64xf32> to vector<64xf32>
    %add3A_24 = arith.addf %get3A_21, %reduce_sum3A_23 : vector<64xf32>
    %swap3A_25 = arith.constant 1 : index
    %swap3A_26 = arith.constant 0 : index
    %swap3A_27 = vector.load %arg7[%swap3A_25, %swap3A_26] : memref<8x64xf32, #tpu.memory_space<vmem>>, vector<1x64xf32>
    %swap3A_28 = vector.shape_cast %swap3A_27 : vector<1x64xf32> to vector<64xf32>
    %swap3A_29 = vector.shape_cast %add3A_24 : vector<64xf32> to vector<1x64xf32>
    tpu.vector_store %arg7[%swap3A_25, %swap3A_26], %swap3A_29 {strides = array<i32>} : memref<8x64xf32, #tpu.memory_space<vmem>>, vector<1x64xf32>,
    %get3A_30 = arith.constant 2 : index
    %get3A_31 = arith.constant 0 : index
    %get3A_32 = vector.load %arg7[%get3A_30, %get3A_31] : memref<8x64xf32, #tpu.memory_space<vmem>>, vector<1x64xf32>
    %get3A_33 = vector.shape_cast %get3A_32 : vector<1x64xf32> to vector<64xf32>
    %mul3A_34 = arith.mulf %get3A_6, %reduce_sum3A_7 : vector<256x64xf32>
    %reduce_sum3A_35 = arith.constant dense<0.000000e+00> : vector<64xf32>
    %reduce_sum3A_36 = vector.multi_reduction <add>, %mul3A_34, %reduce_sum3A_35 [0] : vector<256x64xf32> to vector<64xf32>
    %add3A_37 = arith.addf %get3A_33, %reduce_sum3A_36 : vector<64xf32>
    %swap3A_38 = arith.constant 2 : index
    %swap3A_39 = arith.constant 0 : index
    %swap3A_40 = vector.load %arg7[%swap3A_38, %swap3A_39] : memref<8x64xf32, #tpu.memory_space<vmem>>, vector<1x64xf32>
    %swap3A_41 = vector.shape_cast %swap3A_40 : vector<1x64xf32> to vector<64xf32>
    %swap3A_42 = vector.shape_cast %add3A_37 : vector<64xf32> to vector<1x64xf32>
    tpu.vector_store %arg7[%swap3A_38, %swap3A_39], %swap3A_42 {strides = array<i32>} : memref<8x64xf32, #tpu.memory_space<vmem>>, vector<1x64xf32>,
    %get3A_43 = arith.constant 3 : index
    %get3A_44 = arith.constant 0 : index
    %get3A_45 = vector.load %arg7[%get3A_43, %get3A_44] : memref<8x64xf32, #tpu.memory_space<vmem>>, vector<1x64xf32>
    %get3A_46 = vector.shape_cast %get3A_45 : vector<1x64xf32> to vector<64xf32>
    %reduce_sum3A_47 = arith.constant dense<0.000000e+00> : vector<64xf32>
    %reduce_sum3A_48 = vector.multi_reduction <add>, %get3A_6, %reduce_sum3A_47 [0] : vector<256x64xf32> to vector<64xf32>
    %add3A_49 = arith.addf %get3A_46, %reduce_sum3A_48 : vector<64xf32>
    %swap3A_50 = arith.constant 3 : index
    %swap3A_51 = arith.constant 0 : index
    %swap3A_52 = vector.load %arg7[%swap3A_50, %swap3A_51] : memref<8x64xf32, #tpu.memory_space<vmem>>, vector<1x64xf32>
    %swap3A_53 = vector.shape_cast %swap3A_52 : vector<1x64xf32> to vector<64xf32>
    %swap3A_54 = vector.shape_cast %add3A_49 : vector<64xf32> to vector<1x64xf32>
    tpu.vector_store %arg7[%swap3A_50, %swap3A_51], %swap3A_54 {strides = array<i32>} : memref<8x64xf32, #tpu.memory_space<vmem>>, vector<1x64xf32>,
    %get3A_55 = arith.constant 4 : index
    %get3A_56 = arith.constant 0 : index
    %get3A_57 = vector.load %arg7[%get3A_55, %get3A_56] : memref<8x64xf32, #tpu.memory_space<vmem>>, vector<1x64xf32>
    %get3A_58 = vector.shape_cast %get3A_57 : vector<1x64xf32> to vector<64xf32>
    %mul3A_59 = arith.mulf %get3A_6, %get3A_6 : vector<256x64xf32>
    %reduce_sum3A_60 = arith.constant dense<0.000000e+00> : vector<64xf32>
    %reduce_sum3A_61 = vector.multi_reduction <add>, %mul3A_59, %reduce_sum3A_60 [0] : vector<256x64xf32> to vector<64xf32>
    %add3A_62 = arith.addf %get3A_58, %reduce_sum3A_61 : vector<64xf32>
    %swap3A_63 = arith.constant 4 : index
    %swap3A_64 = arith.constant 0 : index
    %swap3A_65 = vector.load %arg7[%swap3A_63, %swap3A_64] : memref<8x64xf32, #tpu.memory_space<vmem>>, vector<1x64xf32>
    %swap3A_66 = vector.shape_cast %swap3A_65 : vector<1x64xf32> to vector<64xf32>
    %swap3A_67 = vector.shape_cast %add3A_62 : vector<64xf32> to vector<1x64xf32>
    tpu.vector_store %arg7[%swap3A_63, %swap3A_64], %swap3A_67 {strides = array<i32>} : memref<8x64xf32, #tpu.memory_space<vmem>>, vector<1x64xf32>,
    %eq3A_68 = arith.constant 63 : i32
    %eq3A_69 = arith.cmpi eq, %arg0, %eq3A_68 : i32
    %convert_element_type3A_70 = arith.extui %eq3A_69 : i1 to i32
    %cond3A_71 = arith.constant 0 : i32
    %cond3A_72 = arith.cmpi ne, %convert_element_type3A_70, %cond3A_71 : i32
    scf.if %cond3A_72 {
      %get3A_73 = arith.constant 3 : index
      %get3A_74 = arith.constant 0 : index
      %get3A_75 = vector.load %arg7[%get3A_73, %get3A_74] : memref<8x64xf32, #tpu.memory_space<vmem>>, vector<1x64xf32>
      %get3A_76 = vector.shape_cast %get3A_75 : vector<1x64xf32> to vector<64xf32>
      %mul3A_77 = arith.constant 1.600000e+01 : f32
      %mul3A_78 = vector.broadcast %mul3A_77 : f32 to vector<64xf32>
      %mul3A_79 = arith.mulf %mul3A_78, %get3A_76 : vector<64xf32>
      %get3A_80 = arith.constant 0 : index
      %get3A_81 = arith.constant 0 : index
      %get3A_82 = vector.load %arg7[%get3A_80, %get3A_81] : memref<8x64xf32, #tpu.memory_space<vmem>>, vector<1x64xf32>
      %get3A_83 = vector.shape_cast %get3A_82 : vector<1x64xf32> to vector<64xf32>
      %add3A_84 = arith.addf %mul3A_79, %get3A_83 : vector<64xf32>
      %div3A = arith.constant 2.621440e+05 : f32
      %div3A_85 = vector.broadcast %div3A : f32 to vector<64xf32>
      %div3A_86 = arith.divf %add3A_84, %div3A_85 : vector<64xf32>
      %get3A_87 = arith.constant 4 : index
      %get3A_88 = arith.constant 0 : index
      %get3A_89 = vector.load %arg7[%get3A_87, %get3A_88] : memref<8x64xf32, #tpu.memory_space<vmem>>, vector<1x64xf32>
      %get3A_90 = vector.shape_cast %get3A_89 : vector<1x64xf32> to vector<64xf32>
      %mul3A_91 = arith.constant 1.600000e+01 : f32
      %mul3A_92 = vector.broadcast %mul3A_91 : f32 to vector<64xf32>
      %mul3A_93 = arith.mulf %mul3A_92, %get3A_90 : vector<64xf32>
      %get3A_94 = arith.constant 2 : index
      %get3A_95 = arith.constant 0 : index
      %get3A_96 = vector.load %arg7[%get3A_94, %get3A_95] : memref<8x64xf32, #tpu.memory_space<vmem>>, vector<1x64xf32>
      %get3A_97 = vector.shape_cast %get3A_96 : vector<1x64xf32> to vector<64xf32>
      %mul3A_98 = arith.constant 2.000000e+00 : f32
      %mul3A_99 = vector.broadcast %mul3A_98 : f32 to vector<64xf32>
      %mul3A_100 = arith.mulf %mul3A_99, %get3A_97 : vector<64xf32>
      %add3A_101 = arith.addf %mul3A_93, %mul3A_100 : vector<64xf32>
      %get3A_102 = arith.constant 1 : index
      %get3A_103 = arith.constant 0 : index
      %get3A_104 = vector.load %arg7[%get3A_102, %get3A_103] : memref<8x64xf32, #tpu.memory_space<vmem>>, vector<1x64xf32>
      %get3A_105 = vector.shape_cast %get3A_104 : vector<1x64xf32> to vector<64xf32>
      %add3A_106 = arith.addf %add3A_101, %get3A_105 : vector<64xf32>
      %div3A_107 = arith.constant 2.621440e+05 : f32
      %div3A_108 = vector.broadcast %div3A_107 : f32 to vector<64xf32>
      %div3A_109 = arith.divf %add3A_106, %div3A_108 : vector<64xf32>
      %mul3A_110 = arith.mulf %div3A_86, %div3A_86 : vector<64xf32>
      %sub3A = arith.subf %div3A_109, %mul3A_110 : vector<64xf32>
      %get3A_111 = arith.constant 0 : index
      %get3A_112 = vector.load %arg3[%get3A_111] : memref<64xf32, #tpu.memory_space<vmem>>, vector<64xf32>
      %add3A_113 = arith.constant 9.99999974E-6 : f32
      %add3A_114 = vector.broadcast %add3A_113 : f32 to vector<64xf32>
      %add3A_115 = arith.addf %sub3A, %add3A_114 : vector<64xf32>
      %rsqrt3A = math.rsqrt %add3A_115 : vector<64xf32>
      %mul3A_116 = arith.mulf %get3A_112, %rsqrt3A : vector<64xf32>
      %swap3A_117 = arith.constant 0 : index
      %swap3A_118 = vector.load %arg5[%swap3A_117] : memref<64xf32, #tpu.memory_space<vmem>>, vector<64xf32>
      tpu.vector_store %arg5[%swap3A_117], %mul3A_116 {strides = array<i32>} : memref<64xf32, #tpu.memory_space<vmem>>, vector<64xf32>,
      %get3A_119 = arith.constant 0 : index
      %get3A_120 = vector.load %arg4[%get3A_119] : memref<64xf32, #tpu.memory_space<vmem>>, vector<64xf32>
      %mul3A_121 = arith.mulf %div3A_86, %mul3A_116 : vector<64xf32>
      %sub3A_122 = arith.subf %get3A_120, %mul3A_121 : vector<64xf32>
      %swap3A_123 = arith.constant 0 : index
      %swap3A_124 = vector.load %arg6[%swap3A_123] : memref<64xf32, #tpu.memory_space<vmem>>, vector<64xf32>
      tpu.vector_store %arg6[%swap3A_123], %sub3A_122 {strides = array<i32>} : memref<64xf32, #tpu.memory_space<vmem>>, vector<64xf32>,
    } else {
    }
    return
  }
  func.func @transform_0(%arg0: i32) -> (i32, i32) {
    %c0_i32 = arith.constant 0 : i32
    %c0_i32_0 = arith.constant 0 : i32
    return %arg0, %c0_i32 : i32, i32
  }
  func.func @transform_1(%arg0: i32) -> (i32, i32) {
    %c0_i32 = arith.constant 0 : i32
    %c0_i32_0 = arith.constant 0 : i32
    return %arg0, %c0_i32 : i32, i32
  }
  func.func @transform_2(%arg0: i32) -> i32 {
    %c0_i32 = arith.constant 0 : i32
    %c0_i32_0 = arith.constant 0 : i32
    return %c0_i32 : i32
  }
  func.func @transform_3(%arg0: i32) -> i32 {
    %c0_i32 = arith.constant 0 : i32
    %c0_i32_0 = arith.constant 0 : i32
    return %c0_i32 : i32
  }
  func.func @transform_4(%arg0: i32) -> i32 {
    %c0_i32 = arith.constant 0 : i32
    %c0_i32_0 = arith.constant 0 : i32
    return %c0_i32 : i32
  }
  func.func @transform_5(%arg0: i32) -> i32 {
    %c0_i32 = arith.constant 0 : i32
    %c0_i32_0 = arith.constant 0 : i32
    return %c0_i32 : i32
  }
}

module attributes {stable_mosaic.version = 14 : i64} {
  func.func @_stats2_body(%arg0: i32, %arg1: memref<4096x64xf32, #tpu.memory_space<vmem>>, %arg2: memref<256x64xf32, #tpu.memory_space<vmem>>, %arg3: memref<64xf32, #tpu.memory_space<vmem>>, %arg4: memref<64xf32, #tpu.memory_space<vmem>>, %arg5: memref<64x64xf32, #tpu.memory_space<vmem>>, %arg6: memref<64x64xf32, #tpu.memory_space<vmem>>, %arg7: memref<64xf32, #tpu.memory_space<vmem>>, %arg8: memref<64xf32, #tpu.memory_space<vmem>>, %arg9: memref<64x64xf32, #tpu.memory_space<vmem>>, %arg10: memref<64xf32, #tpu.memory_space<vmem>>, %arg11: memref<8x64xf32, #tpu.memory_space<vmem>>, %arg12: memref<64x64xf32, #tpu.memory_space<vmem>>) attributes {dimension_semantics = [#tpu.dimension_semantics<arbitrary>], iteration_bounds = array<i64: 64>, scalar_prefetch = 0 : i64, scratch_operands = 2 : i64, tpu.core_type = #tpu.core_type<tc>, window_params = [{transform_indices = @transform_0, window_bounds = array<i64: 4096, 64>}, {transform_indices = @transform_1, window_bounds = array<i64: 256, 64>}, {pipeline_mode = #tpu.pipeline_mode<synchronous>, transform_indices = @transform_2, window_bounds = array<i64: 64>}, {pipeline_mode = #tpu.pipeline_mode<synchronous>, transform_indices = @transform_3, window_bounds = array<i64: 64>}, {pipeline_mode = #tpu.pipeline_mode<synchronous>, transform_indices = @transform_4, window_bounds = array<i64: 64, 64>}, {pipeline_mode = #tpu.pipeline_mode<synchronous>, transform_indices = @transform_5, window_bounds = array<i64: 64, 64>}, {pipeline_mode = #tpu.pipeline_mode<synchronous>, transform_indices = @transform_6, window_bounds = array<i64: 64>}, {pipeline_mode = #tpu.pipeline_mode<synchronous>, transform_indices = @transform_7, window_bounds = array<i64: 64>}, {pipeline_mode = #tpu.pipeline_mode<synchronous>, transform_indices = @transform_8, window_bounds = array<i64: 64, 64>}, {pipeline_mode = #tpu.pipeline_mode<synchronous>, transform_indices = @transform_9, window_bounds = array<i64: 64>}]} {
    %eq3A = arith.constant 0 : i32
    %eq3A_0 = arith.cmpi eq, %arg0, %eq3A : i32
    %convert_element_type3A = arith.extui %eq3A_0 : i1 to i32
    %cond3A = arith.constant 0 : i32
    %cond3A_1 = arith.cmpi ne, %convert_element_type3A, %cond3A : i32
    scf.if %cond3A_1 {
      %broadcast_in_dim3A_43 = arith.constant 0.000000e+00 : f32
      %broadcast_in_dim3A_44 = vector.broadcast %broadcast_in_dim3A_43 : f32 to vector<8x64xf32>
      %swap3A_45 = arith.constant 0 : index
      %swap3A_46 = arith.constant 0 : index
      %swap3A_47 = vector.load %arg11[%swap3A_45, %swap3A_46] : memref<8x64xf32, #tpu.memory_space<vmem>>, vector<8x64xf32>
      tpu.vector_store %arg11[%swap3A_45, %swap3A_46], %broadcast_in_dim3A_44 {strides = array<i32>} : memref<8x64xf32, #tpu.memory_space<vmem>>, vector<8x64xf32>,
      %broadcast_in_dim3A_48 = arith.constant 0.000000e+00 : f32
      %broadcast_in_dim3A_49 = vector.broadcast %broadcast_in_dim3A_48 : f32 to vector<64x64xf32>
      %swap3A_50 = arith.constant 0 : index
      %swap3A_51 = arith.constant 0 : index
      %swap3A_52 = vector.load %arg12[%swap3A_50, %swap3A_51] : memref<64x64xf32, #tpu.memory_space<vmem>>, vector<64x64xf32>
      tpu.vector_store %arg12[%swap3A_50, %swap3A_51], %broadcast_in_dim3A_49 {strides = array<i32>} : memref<64x64xf32, #tpu.memory_space<vmem>>, vector<64x64xf32>,
    } else {
    }
    %get3A = arith.constant 0 : index
    %get3A_2 = arith.constant 0 : index
    %get3A_3 = vector.load %arg2[%get3A, %get3A_2] : memref<256x64xf32, #tpu.memory_space<vmem>>, vector<256x64xf32>
    %broadcast_in_dim3A = vector.shape_cast %get3A_3 : vector<256x64xf32> to vector<256x1x64xf32>
    %broadcast_in_dim3A_4 = vector.shape_cast %broadcast_in_dim3A : vector<256x1x64xf32> to vector<256x1x64xf32>
    %broadcast_in_dim3A_5 = vector.broadcast %broadcast_in_dim3A_4 : vector<256x1x64xf32> to vector<256x16x64xf32>
    %reshape3A = vector.shape_cast %broadcast_in_dim3A_5 : vector<256x16x64xf32> to vector<4096x64xf32>
    %get3A_6 = arith.constant 0 : index
    %get3A_7 = vector.load %arg3[%get3A_6] : memref<64xf32, #tpu.memory_space<vmem>>, vector<64xf32>
    %get3A_8 = arith.constant 0 : index
    %get3A_9 = arith.constant 0 : index
    %get3A_10 = vector.load %arg1[%get3A_8, %get3A_9] : memref<4096x64xf32, #tpu.memory_space<vmem>>, vector<4096x64xf32>
    %add3A = arith.addf %get3A_10, %reshape3A : vector<4096x64xf32>
    %broadcast_in_dim3A_11 = vector.shape_cast %get3A_7 : vector<64xf32> to vector<1x64xf32>
    %mul3A = vector.broadcast %broadcast_in_dim3A_11 : vector<1x64xf32> to vector<4096x64xf32>
    %mul3A_12 = arith.mulf %mul3A, %add3A : vector<4096x64xf32>
    %get3A_13 = arith.constant 0 : index
    %get3A_14 = vector.load %arg4[%get3A_13] : memref<64xf32, #tpu.memory_space<vmem>>, vector<64xf32>
    %broadcast_in_dim3A_15 = vector.shape_cast %get3A_14 : vector<64xf32> to vector<1x64xf32>
    %add3A_16 = vector.broadcast %broadcast_in_dim3A_15 : vector<1x64xf32> to vector<4096x64xf32>
    %add3A_17 = arith.addf %mul3A_12, %add3A_16 : vector<4096x64xf32>
    %max3A = arith.constant 0.000000e+00 : f32
    %max3A_18 = vector.broadcast %max3A : f32 to vector<4096x64xf32>
    %max3A_19 = arith.maximumf %add3A_17, %max3A_18 : vector<4096x64xf32>
    %get3A_20 = arith.constant 0 : index
    %get3A_21 = arith.constant 0 : index
    %get3A_22 = vector.load %arg11[%get3A_20, %get3A_21] : memref<8x64xf32, #tpu.memory_space<vmem>>, vector<1x64xf32>
    %get3A_23 = vector.shape_cast %get3A_22 : vector<1x64xf32> to vector<64xf32>
    %reduce_sum3A = arith.constant dense<0.000000e+00> : vector<64xf32>
    %reduce_sum3A_24 = vector.multi_reduction <add>, %max3A_19, %reduce_sum3A [0] : vector<4096x64xf32> to vector<64xf32>
    %add3A_25 = arith.addf %get3A_23, %reduce_sum3A_24 : vector<64xf32>
    %swap3A = arith.constant 0 : index
    %swap3A_26 = arith.constant 0 : index
    %swap3A_27 = vector.load %arg11[%swap3A, %swap3A_26] : memref<8x64xf32, #tpu.memory_space<vmem>>, vector<1x64xf32>
    %swap3A_28 = vector.shape_cast %swap3A_27 : vector<1x64xf32> to vector<64xf32>
    %swap3A_29 = vector.shape_cast %add3A_25 : vector<64xf32> to vector<1x64xf32>
    tpu.vector_store %arg11[%swap3A, %swap3A_26], %swap3A_29 {strides = array<i32>} : memref<8x64xf32, #tpu.memory_space<vmem>>, vector<1x64xf32>,
    %get3A_30 = arith.constant 0 : index
    %get3A_31 = arith.constant 0 : index
    %get3A_32 = vector.load %arg12[%get3A_30, %get3A_31] : memref<64x64xf32, #tpu.memory_space<vmem>>, vector<64x64xf32>
    %dot_general3A = arith.constant dense<0.000000e+00> : vector<64x64xf32>
    %dot_general3A_33 = tpu.matmul %max3A_19, %max3A_19, %dot_general3A {dimension_numbers = #tpu.dot_dimension_numbers<[0], [0], [1], [1], [0, 1, 1, 1], [], []>, transpose_lhs_hint = false} : vector<4096x64xf32>, vector<4096x64xf32>, vector<64x64xf32> -> vector<64x64xf32>
    %add3A_34 = arith.addf %get3A_32, %dot_general3A_33 : vector<64x64xf32>
    %swap3A_35 = arith.constant 0 : index
    %swap3A_36 = arith.constant 0 : index
    %swap3A_37 = vector.load %arg12[%swap3A_35, %swap3A_36] : memref<64x64xf32, #tpu.memory_space<vmem>>, vector<64x64xf32>
    tpu.vector_store %arg12[%swap3A_35, %swap3A_36], %add3A_34 {strides = array<i32>} : memref<64x64xf32, #tpu.memory_space<vmem>>, vector<64x64xf32>,
    %eq3A_38 = arith.constant 63 : i32
    %eq3A_39 = arith.cmpi eq, %arg0, %eq3A_38 : i32
    %convert_element_type3A_40 = arith.extui %eq3A_39 : i1 to i32
    %cond3A_41 = arith.constant 0 : i32
    %cond3A_42 = arith.cmpi ne, %convert_element_type3A_40, %cond3A_41 : i32
    scf.if %cond3A_42 {
      %get3A_43 = arith.constant 0 : index
      %get3A_44 = arith.constant 0 : index
      %get3A_45 = vector.load %arg11[%get3A_43, %get3A_44] : memref<8x64xf32, #tpu.memory_space<vmem>>, vector<1x64xf32>
      %get3A_46 = vector.shape_cast %get3A_45 : vector<1x64xf32> to vector<64xf32>
      %div3A = arith.constant 2.621440e+05 : f32
      %div3A_47 = vector.broadcast %div3A : f32 to vector<64xf32>
      %div3A_48 = arith.divf %get3A_46, %div3A_47 : vector<64xf32>
      %get3A_49 = arith.constant 0 : index
      %get3A_50 = arith.constant 0 : index
      %get3A_51 = vector.load %arg12[%get3A_49, %get3A_50] : memref<64x64xf32, #tpu.memory_space<vmem>>, vector<64x64xf32>
      %div3A_52 = arith.constant 2.621440e+05 : f32
      %div3A_53 = vector.broadcast %div3A_52 : f32 to vector<64x64xf32>
      %div3A_54 = arith.divf %get3A_51, %div3A_53 : vector<64x64xf32>
      %get3A_55 = arith.constant 0 : index
      %get3A_56 = arith.constant 0 : index
      %get3A_57 = vector.load %arg5[%get3A_55, %get3A_56] : memref<64x64xf32, #tpu.memory_space<vmem>>, vector<64x64xf32>
      %dot_general3A_58 = arith.constant dense<0.000000e+00> : vector<64xf32>
      %dot_general3A_59 = tpu.matmul %get3A_57, %div3A_48, %dot_general3A_58 {dimension_numbers = #tpu.dot_dimension_numbers<[1], [0], [0], [], [0, 0], [], []>, transpose_lhs_hint = false} : vector<64x64xf32>, vector<64xf32>, vector<64xf32> -> vector<64xf32>
      %dot_general3A_60 = arith.constant dense<0.000000e+00> : vector<64x64xf32>
      %dot_general3A_61 = tpu.matmul %get3A_57, %div3A_54, %dot_general3A_60 {dimension_numbers = #tpu.dot_dimension_numbers<[1], [0], [0], [1], [0, 0, 1, 1], [], []>, transpose_lhs_hint = false} : vector<64x64xf32>, vector<64x64xf32>, vector<64x64xf32> -> vector<64x64xf32>
      %mul3A_62 = arith.mulf %dot_general3A_61, %get3A_57 : vector<64x64xf32>
      %reduce_sum3A_63 = arith.constant dense<0.000000e+00> : vector<64xf32>
      %reduce_sum3A_64 = vector.multi_reduction <add>, %mul3A_62, %reduce_sum3A_63 [1] : vector<64x64xf32> to vector<64xf32>
      %mul3A_65 = arith.mulf %dot_general3A_59, %dot_general3A_59 : vector<64xf32>
      %sub3A = arith.subf %reduce_sum3A_64, %mul3A_65 : vector<64xf32>
      %get3A_66 = arith.constant 0 : index
      %get3A_67 = vector.load %arg7[%get3A_66] : memref<64xf32, #tpu.memory_space<vmem>>, vector<64xf32>
      %add3A_68 = arith.constant 9.99999974E-6 : f32
      %add3A_69 = vector.broadcast %add3A_68 : f32 to vector<64xf32>
      %add3A_70 = arith.addf %sub3A, %add3A_69 : vector<64xf32>
      %rsqrt3A = math.rsqrt %add3A_70 : vector<64xf32>
      %mul3A_71 = arith.mulf %get3A_67, %rsqrt3A : vector<64xf32>
      %get3A_72 = arith.constant 0 : index
      %get3A_73 = arith.constant 0 : index
      %get3A_74 = vector.load %arg6[%get3A_72, %get3A_73] : memref<64x64xf32, #tpu.memory_space<vmem>>, vector<64x64xf32>
      %broadcast_in_dim3A_75 = vector.shape_cast %mul3A_71 : vector<64xf32> to vector<1x64xf32>
      %mul3A_76 = vector.broadcast %broadcast_in_dim3A_75 : vector<1x64xf32> to vector<64x64xf32>
      %mul3A_77 = arith.mulf %get3A_74, %mul3A_76 : vector<64x64xf32>
      %swap3A_78 = arith.constant 0 : index
      %swap3A_79 = arith.constant 0 : index
      %swap3A_80 = vector.load %arg9[%swap3A_78, %swap3A_79] : memref<64x64xf32, #tpu.memory_space<vmem>>, vector<64x64xf32>
      tpu.vector_store %arg9[%swap3A_78, %swap3A_79], %mul3A_77 {strides = array<i32>} : memref<64x64xf32, #tpu.memory_space<vmem>>, vector<64x64xf32>,
      %get3A_81 = arith.constant 0 : index
      %get3A_82 = vector.load %arg8[%get3A_81] : memref<64xf32, #tpu.memory_space<vmem>>, vector<64xf32>
      %mul3A_83 = arith.mulf %dot_general3A_59, %mul3A_71 : vector<64xf32>
      %sub3A_84 = arith.subf %get3A_82, %mul3A_83 : vector<64xf32>
      %swap3A_85 = arith.constant 0 : index
      %swap3A_86 = vector.load %arg10[%swap3A_85] : memref<64xf32, #tpu.memory_space<vmem>>, vector<64xf32>
      tpu.vector_store %arg10[%swap3A_85], %sub3A_84 {strides = array<i32>} : memref<64xf32, #tpu.memory_space<vmem>>, vector<64xf32>,
    } else {
    }
    return
  }
  func.func @transform_0(%arg0: i32) -> (i32, i32) {
    %c0_i32 = arith.constant 0 : i32
    %c0_i32_0 = arith.constant 0 : i32
    return %arg0, %c0_i32 : i32, i32
  }
  func.func @transform_1(%arg0: i32) -> (i32, i32) {
    %c0_i32 = arith.constant 0 : i32
    %c0_i32_0 = arith.constant 0 : i32
    return %arg0, %c0_i32 : i32, i32
  }
  func.func @transform_2(%arg0: i32) -> i32 {
    %c0_i32 = arith.constant 0 : i32
    %c0_i32_0 = arith.constant 0 : i32
    return %c0_i32 : i32
  }
  func.func @transform_3(%arg0: i32) -> i32 {
    %c0_i32 = arith.constant 0 : i32
    %c0_i32_0 = arith.constant 0 : i32
    return %c0_i32 : i32
  }
  func.func @transform_4(%arg0: i32) -> (i32, i32) {
    %c0_i32 = arith.constant 0 : i32
    %c0_i32_0 = arith.constant 0 : i32
    %c0_i32_1 = arith.constant 0 : i32
    return %c0_i32, %c0_i32_0 : i32, i32
  }
  func.func @transform_5(%arg0: i32) -> (i32, i32) {
    %c0_i32 = arith.constant 0 : i32
    %c0_i32_0 = arith.constant 0 : i32
    %c0_i32_1 = arith.constant 0 : i32
    return %c0_i32, %c0_i32_0 : i32, i32
  }
  func.func @transform_6(%arg0: i32) -> i32 {
    %c0_i32 = arith.constant 0 : i32
    %c0_i32_0 = arith.constant 0 : i32
    return %c0_i32 : i32
  }
  func.func @transform_7(%arg0: i32) -> i32 {
    %c0_i32 = arith.constant 0 : i32
    %c0_i32_0 = arith.constant 0 : i32
    return %c0_i32 : i32
  }
  func.func @transform_8(%arg0: i32) -> (i32, i32) {
    %c0_i32 = arith.constant 0 : i32
    %c0_i32_0 = arith.constant 0 : i32
    %c0_i32_1 = arith.constant 0 : i32
    return %c0_i32, %c0_i32_0 : i32, i32
  }
  func.func @transform_9(%arg0: i32) -> i32 {
    %c0_i32 = arith.constant 0 : i32
    %c0_i32_0 = arith.constant 0 : i32
    return %c0_i32 : i32
  }
}

module attributes {stable_mosaic.version = 14 : i64} {
  func.func @_pass3_body(%arg0: i32, %arg1: memref<4096x64xf32, #tpu.memory_space<vmem>>, %arg2: memref<256x64xf32, #tpu.memory_space<vmem>>, %arg3: memref<64xf32, #tpu.memory_space<vmem>>, %arg4: memref<64xf32, #tpu.memory_space<vmem>>, %arg5: memref<64x64xf32, #tpu.memory_space<vmem>>, %arg6: memref<64xf32, #tpu.memory_space<vmem>>, %arg7: memref<128x64xf32, #tpu.memory_space<vmem>>, %arg8: memref<64x128xf32, #tpu.memory_space<vmem>>, %arg9: memref<128xf32, #tpu.memory_space<vmem>>, %arg10: memref<128xf32, #tpu.memory_space<vmem>>, %arg11: memref<256x128xf32, #tpu.memory_space<vmem>>, %arg12: memref<128xf32, #tpu.memory_space<vmem>>, %arg13: memref<128xf32, #tpu.memory_space<vmem>>, %arg14: memref<8x64xf32, #tpu.memory_space<vmem>>, %arg15: memref<64x64xf32, #tpu.memory_space<vmem>>) attributes {dimension_semantics = [#tpu.dimension_semantics<arbitrary>], iteration_bounds = array<i64: 64>, scalar_prefetch = 0 : i64, scratch_operands = 2 : i64, tpu.core_type = #tpu.core_type<tc>, window_params = [{transform_indices = @transform_0, window_bounds = array<i64: 4096, 64>}, {transform_indices = @transform_1, window_bounds = array<i64: 256, 64>}, {pipeline_mode = #tpu.pipeline_mode<synchronous>, transform_indices = @transform_2, window_bounds = array<i64: 64>}, {pipeline_mode = #tpu.pipeline_mode<synchronous>, transform_indices = @transform_3, window_bounds = array<i64: 64>}, {pipeline_mode = #tpu.pipeline_mode<synchronous>, transform_indices = @transform_4, window_bounds = array<i64: 64, 64>}, {pipeline_mode = #tpu.pipeline_mode<synchronous>, transform_indices = @transform_5, window_bounds = array<i64: 64>}, {pipeline_mode = #tpu.pipeline_mode<synchronous>, transform_indices = @transform_6, window_bounds = array<i64: 128, 64>}, {pipeline_mode = #tpu.pipeline_mode<synchronous>, transform_indices = @transform_7, window_bounds = array<i64: 64, 128>}, {pipeline_mode = #tpu.pipeline_mode<synchronous>, transform_indices = @transform_8, window_bounds = array<i64: 128>}, {pipeline_mode = #tpu.pipeline_mode<synchronous>, transform_indices = @transform_9, window_bounds = array<i64: 128>}, {transform_indices = @transform_10, window_bounds = array<i64: 256, 128>}, {pipeline_mode = #tpu.pipeline_mode<synchronous>, transform_indices = @transform_11, window_bounds = array<i64: 128>}, {pipeline_mode = #tpu.pipeline_mode<synchronous>, transform_indices = @transform_12, window_bounds = array<i64: 128>}]} {
    %eq3A = arith.constant 0 : i32
    %eq3A_0 = arith.cmpi eq, %arg0, %eq3A : i32
    %convert_element_type3A = arith.extui %eq3A_0 : i1 to i32
    %cond3A = arith.constant 0 : i32
    %cond3A_1 = arith.cmpi ne, %convert_element_type3A, %cond3A : i32
    scf.if %cond3A_1 {
      %broadcast_in_dim3A_66 = arith.constant 0.000000e+00 : f32
      %broadcast_in_dim3A_67 = vector.broadcast %broadcast_in_dim3A_66 : f32 to vector<8x64xf32>
      %swap3A_68 = arith.constant 0 : index
      %swap3A_69 = arith.constant 0 : index
      %swap3A_70 = vector.load %arg14[%swap3A_68, %swap3A_69] : memref<8x64xf32, #tpu.memory_space<vmem>>, vector<8x64xf32>
      tpu.vector_store %arg14[%swap3A_68, %swap3A_69], %broadcast_in_dim3A_67 {strides = array<i32>} : memref<8x64xf32, #tpu.memory_space<vmem>>, vector<8x64xf32>,
      %broadcast_in_dim3A_71 = arith.constant 0.000000e+00 : f32
      %broadcast_in_dim3A_72 = vector.broadcast %broadcast_in_dim3A_71 : f32 to vector<64x64xf32>
      %swap3A_73 = arith.constant 0 : index
      %swap3A_74 = arith.constant 0 : index
      %swap3A_75 = vector.load %arg15[%swap3A_73, %swap3A_74] : memref<64x64xf32, #tpu.memory_space<vmem>>, vector<64x64xf32>
      tpu.vector_store %arg15[%swap3A_73, %swap3A_74], %broadcast_in_dim3A_72 {strides = array<i32>} : memref<64x64xf32, #tpu.memory_space<vmem>>, vector<64x64xf32>,
    } else {
    }
    %get3A = arith.constant 0 : index
    %get3A_2 = arith.constant 0 : index
    %get3A_3 = vector.load %arg2[%get3A, %get3A_2] : memref<256x64xf32, #tpu.memory_space<vmem>>, vector<256x64xf32>
    %broadcast_in_dim3A = vector.shape_cast %get3A_3 : vector<256x64xf32> to vector<256x1x64xf32>
    %broadcast_in_dim3A_4 = vector.shape_cast %broadcast_in_dim3A : vector<256x1x64xf32> to vector<256x1x64xf32>
    %broadcast_in_dim3A_5 = vector.broadcast %broadcast_in_dim3A_4 : vector<256x1x64xf32> to vector<256x16x64xf32>
    %reshape3A = vector.shape_cast %broadcast_in_dim3A_5 : vector<256x16x64xf32> to vector<4096x64xf32>
    %get3A_6 = arith.constant 0 : index
    %get3A_7 = vector.load %arg3[%get3A_6] : memref<64xf32, #tpu.memory_space<vmem>>, vector<64xf32>
    %get3A_8 = arith.constant 0 : index
    %get3A_9 = arith.constant 0 : index
    %get3A_10 = vector.load %arg1[%get3A_8, %get3A_9] : memref<4096x64xf32, #tpu.memory_space<vmem>>, vector<4096x64xf32>
    %add3A = arith.addf %get3A_10, %reshape3A : vector<4096x64xf32>
    %broadcast_in_dim3A_11 = vector.shape_cast %get3A_7 : vector<64xf32> to vector<1x64xf32>
    %mul3A = vector.broadcast %broadcast_in_dim3A_11 : vector<1x64xf32> to vector<4096x64xf32>
    %mul3A_12 = arith.mulf %mul3A, %add3A : vector<4096x64xf32>
    %get3A_13 = arith.constant 0 : index
    %get3A_14 = vector.load %arg4[%get3A_13] : memref<64xf32, #tpu.memory_space<vmem>>, vector<64xf32>
    %broadcast_in_dim3A_15 = vector.shape_cast %get3A_14 : vector<64xf32> to vector<1x64xf32>
    %add3A_16 = vector.broadcast %broadcast_in_dim3A_15 : vector<1x64xf32> to vector<4096x64xf32>
    %add3A_17 = arith.addf %mul3A_12, %add3A_16 : vector<4096x64xf32>
    %max3A = arith.constant 0.000000e+00 : f32
    %max3A_18 = vector.broadcast %max3A : f32 to vector<4096x64xf32>
    %max3A_19 = arith.maximumf %add3A_17, %max3A_18 : vector<4096x64xf32>
    %get3A_20 = arith.constant 0 : index
    %get3A_21 = arith.constant 0 : index
    %get3A_22 = vector.load %arg5[%get3A_20, %get3A_21] : memref<64x64xf32, #tpu.memory_space<vmem>>, vector<64x64xf32>
    %dot_general3A = arith.constant dense<0.000000e+00> : vector<4096x64xf32>
    %dot_general3A_23 = tpu.matmul %max3A_19, %get3A_22, %dot_general3A {dimension_numbers = #tpu.dot_dimension_numbers<[1], [0], [0], [1], [0, 0, 1, 1], [], []>, transpose_lhs_hint = false} : vector<4096x64xf32>, vector<64x64xf32>, vector<4096x64xf32> -> vector<4096x64xf32>
    %get3A_24 = arith.constant 0 : index
    %get3A_25 = vector.load %arg6[%get3A_24] : memref<64xf32, #tpu.memory_space<vmem>>, vector<64xf32>
    %broadcast_in_dim3A_26 = vector.shape_cast %get3A_25 : vector<64xf32> to vector<1x64xf32>
    %add3A_27 = vector.broadcast %broadcast_in_dim3A_26 : vector<1x64xf32> to vector<4096x64xf32>
    %add3A_28 = arith.addf %dot_general3A_23, %add3A_27 : vector<4096x64xf32>
    %max3A_29 = arith.constant 0.000000e+00 : f32
    %max3A_30 = vector.broadcast %max3A_29 : f32 to vector<4096x64xf32>
    %max3A_31 = arith.maximumf %add3A_28, %max3A_30 : vector<4096x64xf32>
    %get3A_32 = arith.constant 0 : index
    %get3A_33 = arith.constant 0 : index
    %get3A_34 = vector.load %arg14[%get3A_32, %get3A_33] : memref<8x64xf32, #tpu.memory_space<vmem>>, vector<1x64xf32>
    %get3A_35 = vector.shape_cast %get3A_34 : vector<1x64xf32> to vector<64xf32>
    %reduce_sum3A = arith.constant dense<0.000000e+00> : vector<64xf32>
    %reduce_sum3A_36 = vector.multi_reduction <add>, %max3A_31, %reduce_sum3A [0] : vector<4096x64xf32> to vector<64xf32>
    %add3A_37 = arith.addf %get3A_35, %reduce_sum3A_36 : vector<64xf32>
    %swap3A = arith.constant 0 : index
    %swap3A_38 = arith.constant 0 : index
    %swap3A_39 = vector.load %arg14[%swap3A, %swap3A_38] : memref<8x64xf32, #tpu.memory_space<vmem>>, vector<1x64xf32>
    %swap3A_40 = vector.shape_cast %swap3A_39 : vector<1x64xf32> to vector<64xf32>
    %swap3A_41 = vector.shape_cast %add3A_37 : vector<64xf32> to vector<1x64xf32>
    tpu.vector_store %arg14[%swap3A, %swap3A_38], %swap3A_41 {strides = array<i32>} : memref<8x64xf32, #tpu.memory_space<vmem>>, vector<1x64xf32>,
    %get3A_42 = arith.constant 0 : index
    %get3A_43 = arith.constant 0 : index
    %get3A_44 = vector.load %arg15[%get3A_42, %get3A_43] : memref<64x64xf32, #tpu.memory_space<vmem>>, vector<64x64xf32>
    %dot_general3A_45 = arith.constant dense<0.000000e+00> : vector<64x64xf32>
    %dot_general3A_46 = tpu.matmul %max3A_31, %max3A_31, %dot_general3A_45 {dimension_numbers = #tpu.dot_dimension_numbers<[0], [0], [1], [1], [0, 1, 1, 1], [], []>, transpose_lhs_hint = false} : vector<4096x64xf32>, vector<4096x64xf32>, vector<64x64xf32> -> vector<64x64xf32>
    %add3A_47 = arith.addf %get3A_44, %dot_general3A_46 : vector<64x64xf32>
    %swap3A_48 = arith.constant 0 : index
    %swap3A_49 = arith.constant 0 : index
    %swap3A_50 = vector.load %arg15[%swap3A_48, %swap3A_49] : memref<64x64xf32, #tpu.memory_space<vmem>>, vector<64x64xf32>
    tpu.vector_store %arg15[%swap3A_48, %swap3A_49], %add3A_47 {strides = array<i32>} : memref<64x64xf32, #tpu.memory_space<vmem>>, vector<64x64xf32>,
    %get3A_51 = arith.constant 0 : index
    %get3A_52 = arith.constant 0 : index
    %get3A_53 = vector.load %arg8[%get3A_51, %get3A_52] : memref<64x128xf32, #tpu.memory_space<vmem>>, vector<64x128xf32>
    %dot_general3A_54 = arith.constant dense<0.000000e+00> : vector<4096x128xf32>
    %dot_general3A_55 = tpu.matmul %max3A_31, %get3A_53, %dot_general3A_54 {dimension_numbers = #tpu.dot_dimension_numbers<[1], [0], [0], [1], [0, 0, 1, 1], [], []>, transpose_lhs_hint = false} : vector<4096x64xf32>, vector<64x128xf32>, vector<4096x128xf32> -> vector<4096x128xf32>
    %reshape3A_56 = vector.shape_cast %dot_general3A_55 : vector<4096x128xf32> to vector<256x16x128xf32>
    %reduce_max3A = arith.constant dense<0xFF800000> : vector<256x128xf32>
    %reduce_max3A_57 = vector.multi_reduction <maximumf>, %reshape3A_56, %reduce_max3A [1] : vector<256x16x128xf32> to vector<256x128xf32>
    %swap3A_58 = arith.constant 0 : index
    %swap3A_59 = arith.constant 0 : index
    %swap3A_60 = vector.load %arg11[%swap3A_58, %swap3A_59] : memref<256x128xf32, #tpu.memory_space<vmem>>, vector<256x128xf32>
    tpu.vector_store %arg11[%swap3A_58, %swap3A_59], %reduce_max3A_57 {strides = array<i32>} : memref<256x128xf32, #tpu.memory_space<vmem>>, vector<256x128xf32>,
    %eq3A_61 = arith.constant 63 : i32
    %eq3A_62 = arith.cmpi eq, %arg0, %eq3A_61 : i32
    %convert_element_type3A_63 = arith.extui %eq3A_62 : i1 to i32
    %cond3A_64 = arith.constant 0 : i32
    %cond3A_65 = arith.cmpi ne, %convert_element_type3A_63, %cond3A_64 : i32
    scf.if %cond3A_65 {
      %get3A_66 = arith.constant 0 : index
      %get3A_67 = arith.constant 0 : index
      %get3A_68 = vector.load %arg14[%get3A_66, %get3A_67] : memref<8x64xf32, #tpu.memory_space<vmem>>, vector<1x64xf32>
      %get3A_69 = vector.shape_cast %get3A_68 : vector<1x64xf32> to vector<64xf32>
      %div3A = arith.constant 2.621440e+05 : f32
      %div3A_70 = vector.broadcast %div3A : f32 to vector<64xf32>
      %div3A_71 = arith.divf %get3A_69, %div3A_70 : vector<64xf32>
      %get3A_72 = arith.constant 0 : index
      %get3A_73 = arith.constant 0 : index
      %get3A_74 = vector.load %arg15[%get3A_72, %get3A_73] : memref<64x64xf32, #tpu.memory_space<vmem>>, vector<64x64xf32>
      %div3A_75 = arith.constant 2.621440e+05 : f32
      %div3A_76 = vector.broadcast %div3A_75 : f32 to vector<64x64xf32>
      %div3A_77 = arith.divf %get3A_74, %div3A_76 : vector<64x64xf32>
      %get3A_78 = arith.constant 0 : index
      %get3A_79 = arith.constant 0 : index
      %get3A_80 = vector.load %arg7[%get3A_78, %get3A_79] : memref<128x64xf32, #tpu.memory_space<vmem>>, vector<128x64xf32>
      %dot_general3A_81 = arith.constant dense<0.000000e+00> : vector<128xf32>
      %dot_general3A_82 = tpu.matmul %get3A_80, %div3A_71, %dot_general3A_81 {dimension_numbers = #tpu.dot_dimension_numbers<[1], [0], [0], [], [0, 0], [], []>, transpose_lhs_hint = false} : vector<128x64xf32>, vector<64xf32>, vector<128xf32> -> vector<128xf32>
      %dot_general3A_83 = arith.constant dense<0.000000e+00> : vector<128x64xf32>
      %dot_general3A_84 = tpu.matmul %get3A_80, %div3A_77, %dot_general3A_83 {dimension_numbers = #tpu.dot_dimension_numbers<[1], [0], [0], [1], [0, 0, 1, 1], [], []>, transpose_lhs_hint = false} : vector<128x64xf32>, vector<64x64xf32>, vector<128x64xf32> -> vector<128x64xf32>
      %mul3A_85 = arith.mulf %dot_general3A_84, %get3A_80 : vector<128x64xf32>
      %reduce_sum3A_86 = arith.constant dense<0.000000e+00> : vector<128xf32>
      %reduce_sum3A_87 = vector.multi_reduction <add>, %mul3A_85, %reduce_sum3A_86 [1] : vector<128x64xf32> to vector<128xf32>
      %mul3A_88 = arith.mulf %dot_general3A_82, %dot_general3A_82 : vector<128xf32>
      %sub3A = arith.subf %reduce_sum3A_87, %mul3A_88 : vector<128xf32>
      %get3A_89 = arith.constant 0 : index
      %get3A_90 = vector.load %arg9[%get3A_89] : memref<128xf32, #tpu.memory_space<vmem>>, vector<128xf32>
      %add3A_91 = arith.constant 9.99999974E-6 : f32
      %add3A_92 = vector.broadcast %add3A_91 : f32 to vector<128xf32>
      %add3A_93 = arith.addf %sub3A, %add3A_92 : vector<128xf32>
      %rsqrt3A = math.rsqrt %add3A_93 : vector<128xf32>
      %mul3A_94 = arith.mulf %get3A_90, %rsqrt3A : vector<128xf32>
      %swap3A_95 = arith.constant 0 : index
      %swap3A_96 = vector.load %arg12[%swap3A_95] : memref<128xf32, #tpu.memory_space<vmem>>, vector<128xf32>
      tpu.vector_store %arg12[%swap3A_95], %mul3A_94 {strides = array<i32>} : memref<128xf32, #tpu.memory_space<vmem>>, vector<128xf32>,
      %get3A_97 = arith.constant 0 : index
      %get3A_98 = vector.load %arg10[%get3A_97] : memref<128xf32, #tpu.memory_space<vmem>>, vector<128xf32>
      %mul3A_99 = arith.mulf %dot_general3A_82, %mul3A_94 : vector<128xf32>
      %sub3A_100 = arith.subf %get3A_98, %mul3A_99 : vector<128xf32>
      %swap3A_101 = arith.constant 0 : index
      %swap3A_102 = vector.load %arg13[%swap3A_101] : memref<128xf32, #tpu.memory_space<vmem>>, vector<128xf32>
      tpu.vector_store %arg13[%swap3A_101], %sub3A_100 {strides = array<i32>} : memref<128xf32, #tpu.memory_space<vmem>>, vector<128xf32>,
    } else {
    }
    return
  }
  func.func @transform_0(%arg0: i32) -> (i32, i32) {
    %c0_i32 = arith.constant 0 : i32
    %c0_i32_0 = arith.constant 0 : i32
    return %arg0, %c0_i32 : i32, i32
  }
  func.func @transform_1(%arg0: i32) -> (i32, i32) {
    %c0_i32 = arith.constant 0 : i32
    %c0_i32_0 = arith.constant 0 : i32
    return %arg0, %c0_i32 : i32, i32
  }
  func.func @transform_2(%arg0: i32) -> i32 {
    %c0_i32 = arith.constant 0 : i32
    %c0_i32_0 = arith.constant 0 : i32
    return %c0_i32 : i32
  }
  func.func @transform_3(%arg0: i32) -> i32 {
    %c0_i32 = arith.constant 0 : i32
    %c0_i32_0 = arith.constant 0 : i32
    return %c0_i32 : i32
  }
  func.func @transform_4(%arg0: i32) -> (i32, i32) {
    %c0_i32 = arith.constant 0 : i32
    %c0_i32_0 = arith.constant 0 : i32
    %c0_i32_1 = arith.constant 0 : i32
    return %c0_i32, %c0_i32_0 : i32, i32
  }
  func.func @transform_5(%arg0: i32) -> i32 {
    %c0_i32 = arith.constant 0 : i32
    %c0_i32_0 = arith.constant 0 : i32
    return %c0_i32 : i32
  }
  func.func @transform_6(%arg0: i32) -> (i32, i32) {
    %c0_i32 = arith.constant 0 : i32
    %c0_i32_0 = arith.constant 0 : i32
    %c0_i32_1 = arith.constant 0 : i32
    return %c0_i32, %c0_i32_0 : i32, i32
  }
  func.func @transform_7(%arg0: i32) -> (i32, i32) {
    %c0_i32 = arith.constant 0 : i32
    %c0_i32_0 = arith.constant 0 : i32
    %c0_i32_1 = arith.constant 0 : i32
    return %c0_i32, %c0_i32_0 : i32, i32
  }
  func.func @transform_8(%arg0: i32) -> i32 {
    %c0_i32 = arith.constant 0 : i32
    %c0_i32_0 = arith.constant 0 : i32
    return %c0_i32 : i32
  }
  func.func @transform_9(%arg0: i32) -> i32 {
    %c0_i32 = arith.constant 0 : i32
    %c0_i32_0 = arith.constant 0 : i32
    return %c0_i32 : i32
  }
  func.func @transform_10(%arg0: i32) -> (i32, i32) {
    %c0_i32 = arith.constant 0 : i32
    %c0_i32_0 = arith.constant 0 : i32
    return %arg0, %c0_i32 : i32, i32
  }
  func.func @transform_11(%arg0: i32) -> i32 {
    %c0_i32 = arith.constant 0 : i32
    %c0_i32_0 = arith.constant 0 : i32
    return %c0_i32 : i32
  }
  func.func @transform_12(%arg0: i32) -> i32 {
    %c0_i32 = arith.constant 0 : i32
    %c0_i32_0 = arith.constant 0 : i32
    return %c0_i32 : i32
  }
}

module attributes {stable_mosaic.version = 14 : i64} {
  func.func @_final_body(%arg0: i32, %arg1: memref<2048x128xf32, #tpu.memory_space<vmem>>, %arg2: memref<128xf32, #tpu.memory_space<vmem>>, %arg3: memref<128xf32, #tpu.memory_space<vmem>>, %arg4: memref<2048x128xf32, #tpu.memory_space<vmem>>) attributes {dimension_semantics = [#tpu.dimension_semantics<arbitrary>], iteration_bounds = array<i64: 8>, scalar_prefetch = 0 : i64, scratch_operands = 0 : i64, tpu.core_type = #tpu.core_type<tc>, window_params = [{transform_indices = @transform_0, window_bounds = array<i64: 2048, 128>}, {pipeline_mode = #tpu.pipeline_mode<synchronous>, transform_indices = @transform_1, window_bounds = array<i64: 128>}, {pipeline_mode = #tpu.pipeline_mode<synchronous>, transform_indices = @transform_2, window_bounds = array<i64: 128>}, {transform_indices = @transform_3, window_bounds = array<i64: 2048, 128>}]} {
    %get3A = arith.constant 0 : index
    %get3A_0 = vector.load %arg2[%get3A] : memref<128xf32, #tpu.memory_space<vmem>>, vector<128xf32>
    %get3A_1 = arith.constant 0 : index
    %get3A_2 = arith.constant 0 : index
    %get3A_3 = vector.load %arg1[%get3A_1, %get3A_2] : memref<2048x128xf32, #tpu.memory_space<vmem>>, vector<2048x128xf32>
    %broadcast_in_dim3A = vector.shape_cast %get3A_0 : vector<128xf32> to vector<1x128xf32>
    %mul3A = vector.broadcast %broadcast_in_dim3A : vector<1x128xf32> to vector<2048x128xf32>
    %mul3A_4 = arith.mulf %mul3A, %get3A_3 : vector<2048x128xf32>
    %get3A_5 = arith.constant 0 : index
    %get3A_6 = vector.load %arg3[%get3A_5] : memref<128xf32, #tpu.memory_space<vmem>>, vector<128xf32>
    %broadcast_in_dim3A_7 = vector.shape_cast %get3A_6 : vector<128xf32> to vector<1x128xf32>
    %add3A = vector.broadcast %broadcast_in_dim3A_7 : vector<1x128xf32> to vector<2048x128xf32>
    %add3A_8 = arith.addf %mul3A_4, %add3A : vector<2048x128xf32>
    %max3A = arith.constant 0.000000e+00 : f32
    %max3A_9 = vector.broadcast %max3A : f32 to vector<2048x128xf32>
    %max3A_10 = arith.maximumf %add3A_8, %max3A_9 : vector<2048x128xf32>
    %swap3A = arith.constant 0 : index
    %swap3A_11 = arith.constant 0 : index
    %swap3A_12 = vector.load %arg4[%swap3A, %swap3A_11] : memref<2048x128xf32, #tpu.memory_space<vmem>>, vector<2048x128xf32>
    tpu.vector_store %arg4[%swap3A, %swap3A_11], %max3A_10 {strides = array<i32>} : memref<2048x128xf32, #tpu.memory_space<vmem>>, vector<2048x128xf32>,
    return
  }
  func.func @transform_0(%arg0: i32) -> (i32, i32) {
    %c0_i32 = arith.constant 0 : i32
    %c0_i32_0 = arith.constant 0 : i32
    return %arg0, %c0_i32 : i32, i32
  }
  func.func @transform_1(%arg0: i32) -> i32 {
    %c0_i32 = arith.constant 0 : i32
    %c0_i32_0 = arith.constant 0 : i32
    return %c0_i32 : i32
  }
  func.func @transform_2(%arg0: i32) -> i32 {
    %c0_i32 = arith.constant 0 : i32
    %c0_i32_0 = arith.constant 0 : i32
    return %c0_i32 : i32
  }
  func.func @transform_3(%arg0: i32) -> (i32, i32) {
    %c0_i32 = arith.constant 0 : i32
    %c0_i32_0 = arith.constant 0 : i32
    return %arg0, %c0_i32 : i32, i32
  }
}

</mosaic_0001>

<sc_bundles>
// kernel: kernel.9.cloned.1.call-start
scs
__scs_entry_jumppad:
0x0: {  	(pc) =	sbr.rel $0x88, $3  }
0x1: {  	(tag) =	ssettag $0x0;
	lr =	simm.s32 $0x1  }
0x2: {  	[smem:$0x3F96] =	sst lr;
	_ =	strace $0xD0000000  }
0x3: {  	_ = 	snop  }
0x4: {  	_ = 	snop  }
0x5: {  	_ = 	snop  }
0x6: {  	_ = 	snop  }
0x7: {  	_ = 	snop  }
__scs_overlays_trampoline_lowered:
0x8: {  	[smem:$0x3FA5] =	sst s0  }
0x9: {  	[smem:$0x3FA6] =	sst s1  }
0xa: {  	[smem:$0x3FA7] =	sst s2  }
0xb: {  	[smem:$0x3FA8] =	sst s3  }
0xc: {  	[smem:$0x3FA9] =	sst s4  }
0xd: {  	[smem:$0x3FAA] =	sst s5  }
0xe: {  	[smem:$0x3FAB] =	sst s6  }
0xf: {  	[smem:$0x3FAC] =	sst s7  }
0x10: {  	[smem:$0x3FAD] =	sst s8  }
0x11: {  	[smem:$0x3FAE] =	sst s9;
	s0 =	simm.s32 @!p0 $0x0  }
0x12: {  	s1 =	sld [smem:$0x3F94];
	s0 =	simm.s32 @p0 $0x1  }
0x13: {  	[smem:$0x3FAF] =	sst s0;
	s0 =	simm.s32 @!p1 $0x0  }
0x14: {  	s2 =	sld [smem:$0x3F93];
	s0 =	simm.s32 @p1 $0x1  }
0x15: {  	[smem:$0x3FB0] =	sst s0;
	s0 =	simm.s32 @!p2 $0x0  }
0x16: {  	s3 =	sld [smem:$0x3FDB];
	s0 =	simm.s32 @p2 $0x1  }
0x17: {  	s4 =	simm.s32 $0x1BF5;
	[smem:$0x3FB2] =	sst s0  }
0x18: {  	s0 =	sld [smem:$0x3F95];
	_ =	swait.ge [sflag:s4], $0x0  }
0x19: {  	s7 =	sld [smem:$0x3F96]  }
0x1a: {  	s8 =	sadd.s32 $0xFFFFE003, lr  }
0x1b: {  	s9 =	sadd.s32 $0xFFFFFEF7, lr;
	s5 =	simm.s32 $0xFFFFFFFF;
	p2 =	slt.u32 s8, $0xFFFFF086  }
0x1c: {  	p1 =	slt.u32 s9, $0xF7A;
	s5 =	simm.s32 @!p2 $0x0  }
0x1d: {  	s5 =	simm.s32 @p1 $0x1;
	p0 =	seq.s32 s7, s2  }
0x1e: {  	s7 =	smul.u32 @!p0 $0xF7A, s2;
	p2 =	seq.s32 @!p0 s5, $0x0  }
0x1f: {  	s9 =	smul.u32 $0xF7A, s1;
	s8 =	simm.s32 @!p0 $0x1BF5;
	p2 =	por !p2, p0  }
0x20: {  	[sflag:s8] =	ssyncset.s32 @!p0 $0xFFFFF086;
	s6 =	sadd.s32 @!p0 s3, s7;
	s7 =	simm.s32 @!p0 $0x108  }
0x21: {  	s3 =	sadd.s32 s3, s9;
	s6 =	sadd.s32 @!p0 $0x88, s6;
	s7 =	simm.s32 @p2 $0x1082  }
0x22: {  	[simem:s7], [sflag:s8] =	dma.local @!p0 [hbm:s6], $0xF7A  }
0x23: {  	s9 =	sor.u32 $0xD0000000, s2;
	s6 =	simm.s32 $0x108;
	_ =	swait.ge @!p0 [sflag:s8], $0x0  }
0x24: {  	s3 =	sadd.s32 $0x88, s3;
	s6 =	simm.s32 @!p1 $0x1082;
	[sflag:s4] =	ssyncset.s32 $0xFFFFF086  }
0x25: {  	[simem:s6], [sflag:s4] =	dma.local [hbm:s3], $0xF7A  }
0x26: {  	[smem:$0x3F96] =	sst s1;
	(tag) =	ssettag s2;
	_ =	strace s9  }
0x27: {  	s1 =	sld [smem:$0x3FA6]  }
0x28: {  	s2 =	sld [smem:$0x3FA7]  }
0x29: {  	s4 =	sld [smem:$0x3FA9]  }
0x2a: {  	p0 =	seq.s32 s5, $0x0;
	s5 =	sld [smem:$0x3FAA]  }
0x2b: {  	s6 =	sld [smem:$0x3FAB]  }
0x2c: {  	s7 =	sld [smem:$0x3FAC]  }
0x2d: {  	s3 =	simm.s32 $0x108;
	s8 =	sld [smem:$0x3FAD]  }
0x2e: {  	s3 =	simm.s32 @!p0 $0x1082;
	s9 =	sld [smem:$0x3FAE]  }
0x2f: {  	lr =	sadd.s32 s0, s3;
	s0 =	sld [smem:$0x3FA5]  }
0x30: {  	s3 =	sld [smem:$0x3FA8]  }
0x31: {  	[smem:$0x3FB1] =	sst s10  }
0x32: {  	s10 =	sld [smem:$0x3FAF];
	_ =	sdelay $0x3  }
0x33: {  	p0 =	seq.s32 s10, $0x1;
	s10 =	sld [smem:$0x3FB1];
	_ =	sdelay $0x3  }
0x34: {  	[smem:$0x3FB1] =	sst s10  }
0x35: {  	s10 =	sld [smem:$0x3FB0];
	_ =	sdelay $0x3  }
0x36: {  	p1 =	seq.s32 s10, $0x1;
	s10 =	sld [smem:$0x3FB1];
	_ =	sdelay $0x3  }
0x37: {  	[smem:$0x3FB1] =	sst s10  }
0x38: {  	s10 =	sld [smem:$0x3FB2]  }
0x39: {  	_ = 	snop;
	(pc) =	sbr.ind lr, $3  }
0x3a: {  	_ = 	snop  }
0x3b: {  	_ = 	snop  }
0x3c: {  	p2 =	seq.s32 s10, $0x1;
	s10 =	sld [smem:$0x3FB1]  }
0x3d: {  	_ =	shalt  }
0x3e: {  	_ =	shalt  }
0x3f: {  	_ =	shalt  }
0x40: {  	_ =	shalt  }
0x41: {  	_ =	shalt  }
0x42: {  	_ =	shalt  }
0x43: {  	_ =	shalt  }
0x44: {  	_ =	shalt  }
0x45: {  	_ =	shalt  }
0x46: {  	_ =	shalt  }
0x47: {  	_ =	shalt  }
0x48: {  	_ =	shalt  }
0x49: {  	_ =	shalt  }
0x4a: {  	_ =	shalt  }
0x4b: {  	_ =	shalt  }
0x4c: {  	_ =	shalt  }
0x4d: {  	_ =	shalt  }
0x4e: {  	_ =	shalt  }
0x4f: {  	_ =	shalt  }
0x50: {  	_ =	shalt  }
0x51: {  	_ =	shalt  }
0x52: {  	_ =	shalt  }
0x53: {  	_ =	shalt  }
0x54: {  	_ =	shalt  }
0x55: {  	_ =	shalt  }
0x56: {  	_ =	shalt  }
0x57: {  	_ =	shalt  }
0x58: {  	_ =	shalt  }
0x59: {  	_ =	shalt  }
0x5a: {  	_ =	shalt  }
0x5b: {  	_ =	shalt  }
0x5c: {  	_ =	shalt  }
0x5d: {  	_ =	shalt  }
0x5e: {  	_ =	shalt  }
0x5f: {  	_ =	shalt  }
0x60: {  	_ =	shalt  }
0x61: {  	_ =	shalt  }
0x62: {  	_ =	shalt  }
0x63: {  	_ =	shalt  }
0x64: {  	_ =	shalt  }
0x65: {  	_ =	shalt  }
0x66: {  	_ =	shalt  }
0x67: {  	_ =	shalt  }
0x68: {  	_ =	shalt  }
0x69: {  	_ =	shalt  }
0x6a: {  	_ =	shalt  }
0x6b: {  	_ =	shalt  }
0x6c: {  	_ =	shalt  }
0x6d: {  	_ =	shalt  }
0x6e: {  	_ =	shalt  }
0x6f: {  	_ =	shalt  }
0x70: {  	_ =	shalt  }
0x71: {  	_ =	shalt  }
0x72: {  	_ =	shalt  }
0x73: {  	_ =	shalt  }
0x74: {  	_ =	shalt  }
0x75: {  	_ =	shalt  }
0x76: {  	_ =	shalt  }
0x77: {  	_ =	shalt  }
0x78: {  	_ =	shalt  }
0x79: {  	_ =	shalt  }
0x7a: {  	_ =	shalt  }
0x7b: {  	_ =	shalt  }
0x7c: {  	_ =	shalt  }
0x7d: {  	_ =	shalt  }
0x7e: {  	_ =	shalt  }
0x7f: {  	_ =	shalt  }
0x80: {  	_ =	shalt  }
0x81: {  	_ =	shalt  }
0x82: {  	_ =	shalt  }
0x83: {  	_ =	shalt  }
0x84: {  	_ =	shalt  }
0x85: {  	_ =	shalt  }
0x86: {  	_ =	shalt  }
0x87: {  	_ =	shalt  }
.Lfunc_end0:
.L_simem_size_0:
called_computation_lowered:
.L_overlay_start_0:
0x88: {  	s2 =	sld [smem:$0x3FD9]  }
0x89: {  	s3 =	sld [smem:$0x3FFE];
	_ =	sdelay $0x1  }
0x8a: {  	s1 =	srdreg.scid  }
0x8b: {  	s0 =	sand.u32 $0x1, s1  }
0x8c: {  	s16 =	sshll.u32 s0, $0xA;
	s2 =	sadd.s32 s3, s2  }
0x8d: {  	s2 =	sadd.s32 s2, s16  }
0x8e: {  	[smem:$0x3FBD] =	sst s2  }
0x8f: {  	_ = 	snop  }
0x90: {  	(tm) =	ssettm $0x1  }
0x91: {  	s17 =	sld [smem:$0x3FFB];
	_ =	sdelay $0x3  }
0x92: {  	_ =	strace s17  }
0x93: {  	s2 =	sld [smem:$0x3FFC];
	_ =	sdelay $0x3  }
0x94: {  	_ =	strace s2  }
0x95: {  	s2 =	sld [smem:$0x3FFD];
	_ =	sdelay $0x3  }
0x96: {  	_ =	strace s2  }
0x97: {  	_ =	strace $0x8FFFFFFF  }
0x98: {  	s18 =	sld [smem:$0x3FDB];
	_ =	sdelay $0x1  }
0x99: {  	s19 =	simm.s32 $_scs_section_size  }
0x9a: {  	s4 =	simm.s32 $_size__tile_overlayer_lowered;
	s5 =	simm.s32 $_tile_overlayer_lowered  }
0x9b: {  	s22 =	simm.s32 $0x1BFF;
	s21 =	sshll.u32 s5, $0x1;
	s2 =	sadd.s32 s19, s18  }
0x9c: {  	s6 =	simm.s32 $0x0;
	s20 =	sshll.u32 s4, $0x1;
	s4 =	sadd.s32 s21, s2  }
0x9d: {  	[timem:s6], [sflag:s22] =	dma.local [hbm:s4], s20  }
0x9e: {  	_ =	swait.ge [sflag:s22], s20  }
0x9f: {  	s3 =	ssub.s32 $0x0, s20;
	[sflag:s22] =	ssyncset.done $0x0  }
0xa0: {  	[sflag:s22] =	ssyncadd.s32 s3;
	_ =	sdelay $0x1  }
0xa1: {  	s23 =	simm.s32 $0x1B8B  }
0xa2: {  	_ =	swait.ge [sflag:s23], $0x1  }
0xa3: {  	[sflag:s23] =	ssyncset.done $0x0  }
0xa4: {  	s25 =	simm.s32 $0x1B8E;
	s24 =	sld [smem:$0x3FFE];
	[sflag:s23] =	ssyncadd.s32 $0xFFFFFFFF  }
0xa5: {  	s26 =	simm.s32 $execute0_lowered;
	[smem:$0x3FD2] =	sst s25  }
0xa6: {  	s4 =	sshll.u32 s26, $0x1;
	_ =	strace $0x80000046;
	[dreg:$0x1] =	wrdreg $0xFFFFFFFF  }
0xa7: {  	s28 =	simm.s32 $_size_execute0_lowered;
	s2 =	sadd.s32 s2, s4;
	[dreg:$0x0] =	wrdreg $0x0  }
0xa8: {  	s4 =	sshll.u32 s28, $0x1;
	[dreg:$0x2] =	wrdreg s2  }
0xa9: {  	[dreg:$0x3] =	wrdreg s4  }
0xaa: {  	[dreg:$0x4] =	wrdreg $0xC0  }
0xab: {  	_ =	task [dreg:s6], $0x5FFFF  }
0xac: {  	[dreg:$0x1] =	wrdreg $0xFFFFFFFF  }
0xad: {  	[dreg:$0x0] =	wrdreg $0x60  }
0xae: {  	[dreg:$0x2] =	wrdreg s24  }
0xaf: {  	[dreg:$0x3] =	wrdreg $0x9  }
0xb0: {  	_ =	task.clear_ibuf [dreg:s6], $0x4FFFF;
	_ =	strace $0x90000046  }
0xb1: {  	s29 =	simm.s32 $0x9;
	_ =	strace $0x80000048  }
0xb2: {  	_ =	swait.ge [sflag:s29], $0x1  }
0xb3: {  	[sflag:s29] =	ssyncadd.s32 $0xFFFFFFFF  }
0xb4: {  	_ =	strace $0x90000048  }
0xb5: {  	_ =	sfence  }
0xb6: {  	s30 =	sld [smem:$0x0];
	_ =	sdelay $0x2  }
0xb7: {  	s31 =	sshll.u32 s1, $0xD;
	s1 =	sshrl.u32 s1, $0x2  }
0xb8: {  	s3 =	sand.u32 $0x4000, s31;
	s1 =	sadd.s32 s1, s30  }
0xb9: {  	s0 =	sor.u32 s3, s0;
	s1 =	sshll.u32 s1, $0x11  }
0xba: {  	s0 =	sor.u32 s1, s0  }
0xbb: {  	s0 =	sadd.s32 $0x8F2B, s0  }
0xbc: {  	[sflag:s0] =	ssyncadd.remote.s32 $0x1  }
0xbd: {  	_ =	sfence.sel $0xFFFF  }
0xbe: {  	[dreg:$0x0] =	wrdreg $0xFFFFFFFF;
	(pc) =	sbr.abs _section_cstart, $3  }
0xbf: {  	[dreg:$0x1] =	wrdreg $0xFFFFFFFF  }
0xc0: {  	_ =	task.clear_ibuf [dreg:s6], $0x2FFFF;
	_ =	strace $0x9FFFFFFF  }
0xc1: {  	(tm) =	ssettm $0x7FFFFFFF  }
tec
execute0_lowered:
.L_overlay_start_1:
0x0: {  	(tag) =	ssettag $0x1  }
0x1: {  	s4 =	rddreg [dreg:$0x0]  }
0x2: {  	s0 =	rddreg [dreg:$0x1];
	s2 =	simm.s32 $0x0;
	s3 =	srdreg.scid  }
0x3: {  	s1 =	stileid.u32;
	s10 =	simm.s32 $0x0;
	[smem:$0x7FF] =	sst s2  }
0x4: {  	s5 =	sand.u32 $0x1, s3;
	s6 =	sshll.u32 s1, $0xE;
	s3 =	sadd.s32 $0x43800, s4  }
0x5: {  	s8 =	sshll.u32 s1, $0x11;
	_ =	strace $0x80000047;
	s7 =	sshll.u32 s5, $0xD  }
0x6: {  	s31 =	ssub.s32 $0x2, s5;
	s8 =	sadd.s32 s8, s4;
	s5 =	sshll.u32 s5, $0x10  }
0x7: {  	s6 =	sor.u32 s7, s6;
	s9 =	sshrl.u32 s31, $0x1;
	s5 =	sadd.s32 s5, s8  }
0x8: {  	s8 =	simm.s32 $0x80;
	s6 =	sshrl.u32 s6, $0x3;
	s7 =	ssub.s32 s31, s9  }
0x9: {  	s5 =	sadd.s32 $0x63800, s5;
	s9 =	simm.s32 $0x1;
	s6 =	sadd.s32 s6, s4  }
0xa: {  	s4 =	smax.u32 s7, $0x1;
	s7 =	simm.s32 $0x2;
	s6 =	sadd.s32 $0x3800, s6  }
.LBB2_1:
0xb: {  	s11 =	sadd.s32 $0x0, s6  }
0xc: {  	[tilespmem:s2], [sflag:$0x2] =	stream.linear.gather [hbm4b:s11+s2], $0x80, $0x38;
	[tilespmem:$0x2080] =	vst v63  }
0xd: {  	_ =	swait.ge [sflag:s7], $0x80  }
0xe: {  	[sflag:s7] =	ssyncset.done $0x0  }
0xf: {  	[sflag:s7] =	ssyncadd.s32 $0xFFFFFF80  }
0x10: {  	[tilespmem:s8], [sflag:$0x1] =	stream.indirect.gather [hbm4b:s3+s8], $0x40, s2, s8, $0xb8;
	[tilespmem:$0x2080] =	vst v63  }
0x11: {  	_ =	swait.ge [sflag:s9], $0x2000  }
0x12: {  	[sflag:s9] =	ssyncset.done $0x0  }
0x13: {  	[sflag:s9] =	ssyncadd.s32 $0xFFFFE000  }
0x14: {  	[hbm4b:s5+s2] =	stream.linear.scatter [tilespmem:s8], [sflag:$0x2], $0x2000, $0x38;
	[tilespmem:$0x2080] =	vst v63  }
0x15: {  	s12 =	simm.s32 $0x10;
	_ =	swait.ge [sflag:s7], $0x2000  }
0x16: {  	s13 =	simm.s32 $0x20;
	s11 =	sadd.s32 $0x400, s5;
	[sflag:s7] =	ssyncset.done $0x0  }
.LBB2_2:
0x17: {  	s14 =	sadd.s32 s12, s6  }
0x18: {  	[sflag:s7] =	ssyncadd.s32 $0xFFFFE000;
	s12 =	smov.u32 s13;
	s15 =	sadd.s32 $0x10, s13  }
0x19: {  	[tilespmem:s2], [sflag:$0x2] =	stream.linear.gather [hbm4b:s14+s2], $0x80, $0x38;
	[tilespmem:$0x2080] =	vst v63  }
0x1a: {  	p0 =	sne.s32 s13, $0x3F0;
	_ =	swait.ge [sflag:s7], $0x80  }
0x1b: {  	[sflag:s7] =	ssyncset.done $0x0  }
0x1c: {  	[sflag:s7] =	ssyncadd.s32 $0xFFFFFF80  }
0x1d: {  	[tilespmem:s8], [sflag:$0x1] =	stream.indirect.gather [hbm4b:s3+s8], $0x40, s2, s8, $0xb8;
	[tilespmem:$0x2080] =	vst v63  }
0x1e: {  	_ =	swait.ge [sflag:s9], $0x2000  }
.Ltmp0:
0x1f: {  	[sflag:s9] =	ssyncset.done $0x0;
	(pc) =	sbr.rel @p0 .LBB2_2-.Ltmp0, $4  }
0x20: {  	[sflag:s9] =	ssyncadd.s32 $0xFFFFE000  }
0x21: {  	[hbm4b:s11+s2] =	stream.linear.scatter [tilespmem:s8], [sflag:$0x2], $0x2000, $0x38;
	[tilespmem:$0x2080] =	vst v63  }
0x22: {  	_ =	swait.ge [sflag:s7], $0x2000  }
0x23: {  	s13 =	smov.u32 s15;
	s11 =	sadd.s32 $0x400, s11;
	[sflag:s7] =	ssyncset.done $0x0  }
0x24: {  	s12 =	sadd.s32 s12, s6;
	[sflag:s7] =	ssyncadd.s32 $0xFFFFE000  }
0x25: {  	[tilespmem:s2], [sflag:$0x2] =	stream.linear.gather [hbm4b:s12+s2], $0x80, $0x38;
	[tilespmem:$0x2080] =	vst v63  }
0x26: {  	_ =	swait.ge [sflag:s7], $0x80  }
0x27: {  	[sflag:s7] =	ssyncset.done $0x0  }
0x28: {  	[sflag:s7] =	ssyncadd.s32 $0xFFFFFF80  }
0x29: {  	[tilespmem:s8], [sflag:$0x1] =	stream.indirect.gather [hbm4b:s3+s8], $0x40, s2, s8, $0xb8;
	[tilespmem:$0x2080] =	vst v63  }
0x2a: {  	s10 =	sadd.s32 $0x1, s10;
	_ =	swait.ge [sflag:s9], $0x2000  }
0x2b: {  	p0 =	sne.s32 s10, s4;
	[sflag:s9] =	ssyncset.done $0x0  }
.Ltmp1:
0x2c: {  	[sflag:s9] =	ssyncadd.s32 $0xFFFFE000;
	(pc) =	sbr.rel @p0 .LBB2_1-.Ltmp1, $4  }
0x2d: {  	[hbm4b:s11+s2] =	stream.linear.scatter [tilespmem:s8], [sflag:$0x2], $0x2000, $0x38;
	[tilespmem:$0x2080] =	vst v63  }
0x2e: {  	_ =	swait.ge [sflag:s7], $0x2000  }
0x2f: {  	[sflag:s7] =	ssyncset.done $0x0  }
0x30: {  	[sflag:s7] =	ssyncadd.s32 $0xFFFFE000  }
0x31: {  	_ =	sfence.sel $0x180000  }
0x32: {  	[bflag:$0x0] =	sbarrier.arrive $0xFFFF  }
0x33: {  	p0 =	sne.s32 s1, $0x0;
	_ =	strace $0x90000047  }
0x34: {  	s0 =	sadd.s32 @!p0 $0x100000, s0;
	[bflag:$0x2] =	sbarrier.arrive $0xFFFF  }
0x35: {  	[sflag:s0] =	ssyncadd.tile.s32 @!p0 $0x1;
	_ =	shalt  }
.Lfunc_end2:
_tile_overlayer_lowered:
.L_overlay_start_2:
0x36: {  	(tag) =	ssettag $0x2  }
0x37: {  	s0 =	rddreg [dreg:$0x0];
	s2 =	stileid.u32  }
0x38: {  	s1 =	rddreg [dreg:$0x1];
	p0 =	sne.s32 s2, $0x0  }
0x39: {  	s3 =	rddreg [dreg:$0x2];
	[bflag:$0x3] =	sbarrier.arrive $0xFFFF;
	s2 =	simm.s32 @!p0 $0x1C02  }
0x3a: {  	[timem:s3], [sflag:s2] =	dma.local @!p0 [hbm:s0], s1  }
0x3b: {  	s0 =	simm.s32 @!p0 $0x2  }
0x3c: {  	_ =	swait.ge @!p0 [sflag:s0], s1  }
0x3d: {  	s1 =	ssub.s32 @!p0 $0x0, s1;
	[sflag:s0] =	ssyncset.done @!p0 $0x0  }
0x3e: {  	[sflag:s0] =	ssyncadd.s32 @!p0 s1  }
0x3f: {  	[bflag:$0x3] =	sbarrier.arrive $0xFFFF  }
0x40: {  	_ =	shalt  }

</sc_bundles>
